<compile_context>
chip_gen: v7x
topology: tpu7x:2x2x1
jax: 0.10.2.dev20260603
libtpu: 0.0.44.dev20260713+nightly
codegen_flags: <defaults>
</compile_context>

<pallas_src>
import functools

import jax
import jax.numpy as jnp
from jax import lax
from jax.experimental import pallas as pl
from jax.experimental.pallas import tpu as pltpu
from jax.experimental.pallas import tpu_sc as plsc

_D = 32
_NW = 32
_K = 16
_LP = 64


def _emb_body(x_hbm, table_hbm, out_hbm, idx_stage, idx_pad, rows_a, rows_b,
              sem_g, sem_sa, sem_sb, *, L, ngroups, rows_per_w, stage_rows):
    wid = lax.axis_index("s") * 2 + lax.axis_index("c")
    row_base = wid * rows_per_w
    pltpu.sync_copy(x_hbm.at[pl.ds(wid * stage_rows, stage_rows)], idx_stage)

    lane = jax.lax.iota(jnp.int32, 16)

    def relayout(k, _):
        flat = k * 16 + lane
        v = plsc.load_gather(idx_stage, [flat >> 7, flat & 127])
        plsc.store_scatter(idx_pad, [flat // L, flat % L], v)
        return 0

    lax.fori_loop(0, rows_per_w * L // 16, relayout, 0)

    def gather(g, b, buf):
        r = g * _K + b
        return pltpu.make_async_copy(
            table_hbm.at[idx_pad.at[r]], buf.at[b], sem_g)

    def fire_gathers(g, buf):
        for b in range(_K):
            gather(g, b, buf).start()

    def drain_gathers(g, buf):
        for b in range(_K):
            gather(g, b, buf).wait()

    def store(g, buf, sem):
        return pltpu.make_async_copy(
            buf, out_hbm.at[pl.ds(row_base + g * _K, _K)], sem)

    fire_gathers(0, rows_a)

    def outer(h, _):
        ga = 2 * h
        gb = 2 * h + 1
        drain_gathers(ga, rows_a)

        @pl.when(h > 0)
        def _():
            store(gb - 2, rows_b, sem_sb).wait()
        fire_gathers(gb, rows_b)
        store(ga, rows_a, sem_sa).start()
        drain_gathers(gb, rows_b)
        store(ga, rows_a, sem_sa).wait()

        @pl.when(h < ngroups // 2 - 1)
        def _():
            fire_gathers(ga + 2, rows_a)
        store(gb, rows_b, sem_sb).start()
        return 0

    lax.fori_loop(0, ngroups // 2, outer, 0)
    store(ngroups - 1, rows_b, sem_sb).wait()


def kernel(x, table):
    B, L = x.shape
    rows_per_w = B // _NW
    ngroups = rows_per_w // _K
    total = B * L
    stage_rows = total // _NW // 128
    assert B % _NW == 0 and rows_per_w % _K == 0 and ngroups % 2 == 0
    assert total % (_NW * 128) == 0 and 4 * 16 >= L and _LP % 8 == 0

    mesh = plsc.VectorSubcoreMesh(core_axis_name="c", subcore_axis_name="s")
    body = functools.partial(_emb_body, L=L, ngroups=ngroups,
                             rows_per_w=rows_per_w, stage_rows=stage_rows)
    rows_t = pltpu.VMEM((_K, L, _D), jnp.float32)
    emb = pl.kernel(
        body,
        out_type=jax.ShapeDtypeStruct((B, L, _D), jnp.float32),
        mesh=mesh,
        scratch_types=[
            pltpu.VMEM((stage_rows, 128), jnp.int32),
            pltpu.VMEM((rows_per_w, L), jnp.int32),
            rows_t,
            rows_t,
            pltpu.SemaphoreType.DMA,
            pltpu.SemaphoreType.DMA,
            pltpu.SemaphoreType.DMA,
        ],
        compiler_params=pltpu.CompilerParams(use_tc_tiling_on_sc=False,
                                             needs_layout_passes=False),
    )
    return emb(x.reshape(total // 128, 128), table)

# --- scband reference (transcript-rebuilt; emitter-appended) ---
"""Pipeline reference for scband-text-embedding-163208757318 (READ-ONLY COPY).

The authoritative reference and input builder live on the scoring server;
editing this copy changes nothing except your own understanding.
"""

import jax, jax.numpy as jnp
import numpy as np

VOCAB = 1000000
EMBED_DIM = 32
B, L = 16384, 50

def setup_inputs(seed: int = 0) -> dict:
    key = jax.random.key(seed)
    k_idx, k_tab = jax.random.split(key)
    x = jax.random.randint(k_idx, (B, L), 0, VOCAB, dtype=jnp.int32)
    table = jax.random.normal(k_tab, (VOCAB, EMBED_DIM), dtype=jnp.float32)
    # nn.Embedding with padding_idx=0 zero-initializes row 0
    table = table.at[0].set(0.0)
    return {"x": x, "table": table}

def reference(x, table):
    # nn.Embedding forward: row gather from the embedding table
    return jnp.take(table, x, axis=0)

if __name__ == "__main__":
    import jax
    _d = setup_inputs()
    print(jax.jit(kernel)(*tuple(_d.values())))

</pallas_src>

<mosaic_0001>
#map = affine_map<(d0, d1) -> (0, 0)>
#map1 = affine_map<(d0, d1) -> (0, 0, 0)>
module attributes {stable_mosaic.version = 14 : i64} {
  func.func @_emb_body(%arg0: i32, %arg1: i32, %arg2: memref<6400x128xi32, #tpu.memory_space<hbm>>, %arg3: memref<1000000x32xf32, #tpu.memory_space<hbm>>, %arg4: memref<16384x50x32xf32, #tpu.memory_space<hbm>>, %arg5: memref<200x128xi32, #tpu.memory_space<vmem>>, %arg6: memref<512x50xi32, #tpu.memory_space<vmem>>, %arg7: memref<16x50x32xf32, #tpu.memory_space<vmem>>, %arg8: memref<16x50x32xf32, #tpu.memory_space<vmem>>, %arg9: memref<!tpu.dma_semaphore, #tpu.memory_space<semaphore_mem>>, %arg10: memref<!tpu.dma_semaphore, #tpu.memory_space<semaphore_mem>>, %arg11: memref<!tpu.dma_semaphore, #tpu.memory_space<semaphore_mem>>) attributes {dimension_semantics = [#tpu.dimension_semantics<core_parallel>, #tpu.dimension_semantics<subcore_parallel>], iteration_bounds = array<i64: 2, 16>, scalar_prefetch = 0 : i64, scratch_operands = 7 : i64, tpu.core_type = #tpu.core_type<sc_vector_subcore>, window_params = [{transform_indices = #map}, {transform_indices = #map}, {transform_indices = #map1}]} {
    %mul3A = arith.constant 2 : i32
    %mul3A_0 = arith.muli %arg1, %mul3A : i32
    %add3A = arith.addi %mul3A_0, %arg0 : i32
    %mul3A_1 = arith.constant 512 : i32
    %mul3A_2 = arith.muli %add3A, %mul3A_1 : i32
    %mul3A_3 = arith.constant 200 : i32
    %mul3A_4 = arith.muli %add3A, %mul3A_3 : i32
    "tpu.region"() ({
      %run_scoped3A = tpu.sem_alloc : memref<!tpu.dma_semaphore, #tpu.memory_space<semaphore_mem>>
      %dma_start3A_216 = arith.constant 0 : i32
      %dma_start3A_217 = tpu.memref_slice %arg2[%mul3A_4, %dma_start3A_216] : memref<6400x128xi32, #tpu.memory_space<hbm>> -> memref<200x128xi32, #tpu.memory_space<hbm>>
      %dma_start3A_218 = arith.constant 0 : i32
      %dma_start3A_219 = tpu.memref_slice %arg2[%mul3A_4, %dma_start3A_218] : memref<6400x128xi32, #tpu.memory_space<hbm>> -> memref<200x128xi32, #tpu.memory_space<hbm>>
      tpu.enqueue_dma source(%dma_start3A_219 : memref<200x128xi32, #tpu.memory_space<hbm>>) target(%arg5 : memref<200x128xi32, #tpu.memory_space<vmem>>) target_semaphore(%run_scoped3A : memref<!tpu.dma_semaphore, #tpu.memory_space<semaphore_mem>>)
      %dma_wait3A_220 = arith.constant 0 : i32
      %dma_wait3A_221 = tpu.memref_slice %arg2[%mul3A_4, %dma_wait3A_220] : memref<6400x128xi32, #tpu.memory_space<hbm>> -> memref<200x128xi32, #tpu.memory_space<hbm>>
      %dma_wait3A_222 = arith.constant 0 : i32
      %dma_wait3A_223 = tpu.memref_slice %arg2[%mul3A_4, %dma_wait3A_222] : memref<6400x128xi32, #tpu.memory_space<hbm>> -> memref<200x128xi32, #tpu.memory_space<hbm>>
      tpu.wait_dma2 semaphore(%run_scoped3A : memref<!tpu.dma_semaphore, #tpu.memory_space<semaphore_mem>>) src(%dma_wait3A_223 : memref<200x128xi32, #tpu.memory_space<hbm>>) dst(%arg5 : memref<200x128xi32, #tpu.memory_space<vmem>>)
      tpu.yield
    }) : () -> ()
    %iota3A = tpu.iota {dimensions = array<i32: 0>} : vector<16xi32>
    %scan3A = arith.constant 0 : i32
    %scan3A_5 = arith.constant 0 : i32
    %scan3A_6 = arith.constant 1600 : i32
    %scan3A_7 = arith.addi %scan3A_5, %scan3A_6 : i32
    %scan3A_8 = arith.constant 1 : i32
    %scan3A_9 = scf.for %scan3A_216 = %scan3A_5 to %scan3A_7 step %scan3A_8 iter_args(%scan3A_217 = %scan3A) -> (i32)  : i32 {
      %mul3A_218 = arith.constant 16 : i32
      %mul3A_219 = arith.muli %scan3A_216, %mul3A_218 : i32
      %add3A_220 = vector.broadcast %mul3A_219 : i32 to vector<16xi32>
      %add3A_221 = arith.addi %add3A_220, %iota3A : vector<16xi32>
      %shift_right_arithmetic3A = arith.constant 7 : i32
      %shift_right_arithmetic3A_222 = vector.broadcast %shift_right_arithmetic3A : i32 to vector<16xi32>
      %shift_right_arithmetic3A_223 = arith.shrsi %add3A_221, %shift_right_arithmetic3A_222 : vector<16xi32>
      %and3A = arith.constant 127 : i32
      %and3A_224 = vector.broadcast %and3A : i32 to vector<16xi32>
      %and3A_225 = arith.andi %add3A_221, %and3A_224 : vector<16xi32>
      %gather3A = tpu.vector_load_idx %arg5[%shift_right_arithmetic3A_223, %and3A_225] : memref<200x128xi32, #tpu.memory_space<vmem>>[vector<16xi32>, vector<16xi32>], vector<16xi32>,
      %jit3A = arith.constant 50 : i32
      %div3A = vector.broadcast %jit3A : i32 to vector<16xi32>
      %div3A_226 = arith.divsi %add3A_221, %div3A : vector<16xi32>
      %sign3A = arith.constant 0 : i32
      %sign3A_227 = vector.broadcast %sign3A : i32 to vector<16xi32>
      %sign3A_228 = arith.cmpi sgt, %add3A_221, %sign3A_227 : vector<16xi32>
      %sign3A_229 = arith.extui %sign3A_228 : vector<16xi1> to vector<16xi32>
      %sign3A_230 = arith.constant 0 : i32
      %sign3A_231 = vector.broadcast %sign3A_230 : i32 to vector<16xi32>
      %sign3A_232 = arith.cmpi slt, %add3A_221, %sign3A_231 : vector<16xi32>
      %sign3A_233 = arith.extui %sign3A_232 : vector<16xi1> to vector<16xi32>
      %sign3A_234 = arith.subi %sign3A_229, %sign3A_233 : vector<16xi32>
      %sign3A_235 = arith.constant 0 : i32
      %sign3A_236 = arith.cmpi sgt, %jit3A, %sign3A_235 : i32
      %sign3A_237 = arith.extui %sign3A_236 : i1 to i32
      %sign3A_238 = arith.constant 0 : i32
      %sign3A_239 = arith.cmpi slt, %jit3A, %sign3A_238 : i32
      %sign3A_240 = arith.extui %sign3A_239 : i1 to i32
      %sign3A_241 = arith.subi %sign3A_237, %sign3A_240 : i32
      %ne3A = vector.broadcast %sign3A_241 : i32 to vector<16xi32>
      %ne3A_242 = arith.cmpi ne, %sign3A_234, %ne3A : vector<16xi32>
      %rem3A = vector.broadcast %jit3A : i32 to vector<16xi32>
      %rem3A_243 = arith.remsi %add3A_221, %rem3A : vector<16xi32>
      %ne3A_244 = arith.constant 0 : i32
      %ne3A_245 = vector.broadcast %ne3A_244 : i32 to vector<16xi32>
      %ne3A_246 = arith.cmpi ne, %rem3A_243, %ne3A_245 : vector<16xi32>
      %and3A_247 = arith.andi %ne3A_242, %ne3A_246 : vector<16xi1>
      %sub3A = arith.constant 1 : i32
      %sub3A_248 = vector.broadcast %sub3A : i32 to vector<16xi32>
      %sub3A_249 = arith.subi %div3A_226, %sub3A_248 : vector<16xi32>
      %select_n3A = arith.select %and3A_247, %sub3A_249, %div3A_226 : vector<16xi1>, vector<16xi32>
      %jit3A_250 = arith.constant 50 : i32
      %eq3A = arith.constant 0 : i32
      %eq3A_251 = arith.cmpi eq, %jit3A_250, %eq3A : i32
      %jit3A_252 = arith.constant 1 : i32
      %select_n3A_253 = arith.select %eq3A_251, %jit3A_252, %jit3A_250 : i32
      %rem3A_254 = vector.broadcast %select_n3A_253 : i32 to vector<16xi32>
      %rem3A_255 = arith.remsi %add3A_221, %rem3A_254 : vector<16xi32>
      %ne3A_256 = arith.constant 0 : i32
      %ne3A_257 = vector.broadcast %ne3A_256 : i32 to vector<16xi32>
      %ne3A_258 = arith.cmpi ne, %rem3A_255, %ne3A_257 : vector<16xi32>
      %lt3A = arith.constant 0 : i32
      %lt3A_259 = vector.broadcast %lt3A : i32 to vector<16xi32>
      %lt3A_260 = arith.cmpi slt, %rem3A_255, %lt3A_259 : vector<16xi32>
      %lt3A_261 = arith.constant 0 : i32
      %lt3A_262 = arith.cmpi slt, %select_n3A_253, %lt3A_261 : i32
      %ne3A_263 = vector.broadcast %lt3A_262 : i1 to vector<16xi1>
      %ne3A_264 = vector.broadcast %ne3A_263 : vector<16xi1> to vector<16xi1>
      %ne3A_265 = arith.xori %lt3A_260, %ne3A_264 : vector<16xi1>
      %and3A_266 = arith.andi %ne3A_265, %ne3A_258 : vector<16xi1>
      %add3A_267 = vector.broadcast %select_n3A_253 : i32 to vector<16xi32>
      %add3A_268 = arith.addi %rem3A_255, %add3A_267 : vector<16xi32>
      %select_n3A_269 = arith.select %and3A_266, %add3A_268, %rem3A_255 : vector<16xi1>, vector<16xi32>
      tpu.vector_store_idx %arg6[%select_n3A, %select_n3A_269], %gather3A : memref<512x50xi32, #tpu.memory_space<vmem>>[vector<16xi32>, vector<16xi32>], vector<16xi32>,
      %scan3A_270 = arith.constant 0 : i32
      scf.yield %scan3A_270 : i32
    }
    %scan3A_10 = arith.constant 1600 : i32
    %dma_start3A = arith.constant 0 : i32
    %dma_start3A_11 = arith.constant 0 : i32
    %dma_start3A_12 = arith.constant 0 : i32
    %dma_start3A_13 = arith.constant 0 : i32
    %dma_start3A_14 = tpu.memref_slice %arg7[%dma_start3A_11, %dma_start3A_12, %dma_start3A_13] : memref<16x50x32xf32, #tpu.memory_space<vmem>> -> memref<1x50x32xf32, #tpu.memory_space<vmem>>
    %dma_start3A_15 = tpu.memref_squeeze %dma_start3A_14 : memref<1x50x32xf32, #tpu.memory_space<vmem>> -> memref<50x32xf32, #tpu.memory_space<vmem>>
    %dma_start3A_16 = arith.constant 0 : i32
    %dma_start3A_17 = tpu.memref_slice %arg6[%dma_start3A, %dma_start3A_16] : memref<512x50xi32, #tpu.memory_space<vmem>> -> memref<1x50xi32, #tpu.memory_space<vmem>>
    %dma_start3A_18 = tpu.memref_squeeze %dma_start3A_17 : memref<1x50xi32, #tpu.memory_space<vmem>> -> memref<50xi32, #tpu.memory_space<vmem>>
    %dma_start3A_19 = arith.constant 0 : i32
    %dma_start3A_20 = arith.constant 0 : i32
    %dma_start3A_21 = tpu.memref_slice %arg3[%dma_start3A_19, %dma_start3A_20] : memref<1000000x32xf32, #tpu.memory_space<hbm>> -> memref<1000000x32xf32, #tpu.memory_space<hbm>>
    tpu.enqueue_indirect_dma source(%dma_start3A_21 : memref<1000000x32xf32, #tpu.memory_space<hbm>>) target(%dma_start3A_15 : memref<50x32xf32, #tpu.memory_space<vmem>>) offsets(%dma_start3A_18 : memref<50xi32, #tpu.memory_space<vmem>>) semaphore(%arg9 : memref<!tpu.dma_semaphore, #tpu.memory_space<semaphore_mem>>)
    %dma_start3A_22 = arith.constant 1 : i32
    %dma_start3A_23 = arith.constant 1 : i32
    %dma_start3A_24 = arith.constant 0 : i32
    %dma_start3A_25 = arith.constant 0 : i32
    %dma_start3A_26 = tpu.memref_slice %arg7[%dma_start3A_23, %dma_start3A_24, %dma_start3A_25] : memref<16x50x32xf32, #tpu.memory_space<vmem>> -> memref<1x50x32xf32, #tpu.memory_space<vmem>>
    %dma_start3A_27 = tpu.memref_squeeze %dma_start3A_26 : memref<1x50x32xf32, #tpu.memory_space<vmem>> -> memref<50x32xf32, #tpu.memory_space<vmem>>
    %dma_start3A_28 = arith.constant 0 : i32
    %dma_start3A_29 = tpu.memref_slice %arg6[%dma_start3A_22, %dma_start3A_28] : memref<512x50xi32, #tpu.memory_space<vmem>> -> memref<1x50xi32, #tpu.memory_space<vmem>>
    %dma_start3A_30 = tpu.memref_squeeze %dma_start3A_29 : memref<1x50xi32, #tpu.memory_space<vmem>> -> memref<50xi32, #tpu.memory_space<vmem>>
    %dma_start3A_31 = arith.constant 0 : i32
    %dma_start3A_32 = arith.constant 0 : i32
    %dma_start3A_33 = tpu.memref_slice %arg3[%dma_start3A_31, %dma_start3A_32] : memref<1000000x32xf32, #tpu.memory_space<hbm>> -> memref<1000000x32xf32, #tpu.memory_space<hbm>>
    tpu.enqueue_indirect_dma source(%dma_start3A_33 : memref<1000000x32xf32, #tpu.memory_space<hbm>>) target(%dma_start3A_27 : memref<50x32xf32, #tpu.memory_space<vmem>>) offsets(%dma_start3A_30 : memref<50xi32, #tpu.memory_space<vmem>>) semaphore(%arg9 : memref<!tpu.dma_semaphore, #tpu.memory_space<semaphore_mem>>)
    %dma_start3A_34 = arith.constant 2 : i32
    %dma_start3A_35 = arith.constant 2 : i32
    %dma_start3A_36 = arith.constant 0 : i32
    %dma_start3A_37 = arith.constant 0 : i32
    %dma_start3A_38 = tpu.memref_slice %arg7[%dma_start3A_35, %dma_start3A_36, %dma_start3A_37] : memref<16x50x32xf32, #tpu.memory_space<vmem>> -> memref<1x50x32xf32, #tpu.memory_space<vmem>>
    %dma_start3A_39 = tpu.memref_squeeze %dma_start3A_38 : memref<1x50x32xf32, #tpu.memory_space<vmem>> -> memref<50x32xf32, #tpu.memory_space<vmem>>
    %dma_start3A_40 = arith.constant 0 : i32
    %dma_start3A_41 = tpu.memref_slice %arg6[%dma_start3A_34, %dma_start3A_40] : memref<512x50xi32, #tpu.memory_space<vmem>> -> memref<1x50xi32, #tpu.memory_space<vmem>>
    %dma_start3A_42 = tpu.memref_squeeze %dma_start3A_41 : memref<1x50xi32, #tpu.memory_space<vmem>> -> memref<50xi32, #tpu.memory_space<vmem>>
    %dma_start3A_43 = arith.constant 0 : i32
    %dma_start3A_44 = arith.constant 0 : i32
    %dma_start3A_45 = tpu.memref_slice %arg3[%dma_start3A_43, %dma_start3A_44] : memref<1000000x32xf32, #tpu.memory_space<hbm>> -> memref<1000000x32xf32, #tpu.memory_space<hbm>>
    tpu.enqueue_indirect_dma source(%dma_start3A_45 : memref<1000000x32xf32, #tpu.memory_space<hbm>>) target(%dma_start3A_39 : memref<50x32xf32, #tpu.memory_space<vmem>>) offsets(%dma_start3A_42 : memref<50xi32, #tpu.memory_space<vmem>>) semaphore(%arg9 : memref<!tpu.dma_semaphore, #tpu.memory_space<semaphore_mem>>)
    %dma_start3A_46 = arith.constant 3 : i32
    %dma_start3A_47 = arith.constant 3 : i32
    %dma_start3A_48 = arith.constant 0 : i32
    %dma_start3A_49 = arith.constant 0 : i32
    %dma_start3A_50 = tpu.memref_slice %arg7[%dma_start3A_47, %dma_start3A_48, %dma_start3A_49] : memref<16x50x32xf32, #tpu.memory_space<vmem>> -> memref<1x50x32xf32, #tpu.memory_space<vmem>>
    %dma_start3A_51 = tpu.memref_squeeze %dma_start3A_50 : memref<1x50x32xf32, #tpu.memory_space<vmem>> -> memref<50x32xf32, #tpu.memory_space<vmem>>
    %dma_start3A_52 = arith.constant 0 : i32
    %dma_start3A_53 = tpu.memref_slice %arg6[%dma_start3A_46, %dma_start3A_52] : memref<512x50xi32, #tpu.memory_space<vmem>> -> memref<1x50xi32, #tpu.memory_space<vmem>>
    %dma_start3A_54 = tpu.memref_squeeze %dma_start3A_53 : memref<1x50xi32, #tpu.memory_space<vmem>> -> memref<50xi32, #tpu.memory_space<vmem>>
    %dma_start3A_55 = arith.constant 0 : i32
    %dma_start3A_56 = arith.constant 0 : i32
    %dma_start3A_57 = tpu.memref_slice %arg3[%dma_start3A_55, %dma_start3A_56] : memref<1000000x32xf32, #tpu.memory_space<hbm>> -> memref<1000000x32xf32, #tpu.memory_space<hbm>>
    tpu.enqueue_indirect_dma source(%dma_start3A_57 : memref<1000000x32xf32, #tpu.memory_space<hbm>>) target(%dma_start3A_51 : memref<50x32xf32, #tpu.memory_space<vmem>>) offsets(%dma_start3A_54 : memref<50xi32, #tpu.memory_space<vmem>>) semaphore(%arg9 : memref<!tpu.dma_semaphore, #tpu.memory_space<semaphore_mem>>)
    %dma_start3A_58 = arith.constant 4 : i32
    %dma_start3A_59 = arith.constant 4 : i32
    %dma_start3A_60 = arith.constant 0 : i32
    %dma_start3A_61 = arith.constant 0 : i32
    %dma_start3A_62 = tpu.memref_slice %arg7[%dma_start3A_59, %dma_start3A_60, %dma_start3A_61] : memref<16x50x32xf32, #tpu.memory_space<vmem>> -> memref<1x50x32xf32, #tpu.memory_space<vmem>>
    %dma_start3A_63 = tpu.memref_squeeze %dma_start3A_62 : memref<1x50x32xf32, #tpu.memory_space<vmem>> -> memref<50x32xf32, #tpu.memory_space<vmem>>
    %dma_start3A_64 = arith.constant 0 : i32
    %dma_start3A_65 = tpu.memref_slice %arg6[%dma_start3A_58, %dma_start3A_64] : memref<512x50xi32, #tpu.memory_space<vmem>> -> memref<1x50xi32, #tpu.memory_space<vmem>>
    %dma_start3A_66 = tpu.memref_squeeze %dma_start3A_65 : memref<1x50xi32, #tpu.memory_space<vmem>> -> memref<50xi32, #tpu.memory_space<vmem>>
    %dma_start3A_67 = arith.constant 0 : i32
    %dma_start3A_68 = arith.constant 0 : i32
    %dma_start3A_69 = tpu.memref_slice %arg3[%dma_start3A_67, %dma_start3A_68] : memref<1000000x32xf32, #tpu.memory_space<hbm>> -> memref<1000000x32xf32, #tpu.memory_space<hbm>>
    tpu.enqueue_indirect_dma source(%dma_start3A_69 : memref<1000000x32xf32, #tpu.memory_space<hbm>>) target(%dma_start3A_63 : memref<50x32xf32, #tpu.memory_space<vmem>>) offsets(%dma_start3A_66 : memref<50xi32, #tpu.memory_space<vmem>>) semaphore(%arg9 : memref<!tpu.dma_semaphore, #tpu.memory_space<semaphore_mem>>)
    %dma_start3A_70 = arith.constant 5 : i32
    %dma_start3A_71 = arith.constant 5 : i32
    %dma_start3A_72 = arith.constant 0 : i32
    %dma_start3A_73 = arith.constant 0 : i32
    %dma_start3A_74 = tpu.memref_slice %arg7[%dma_start3A_71, %dma_start3A_72, %dma_start3A_73] : memref<16x50x32xf32, #tpu.memory_space<vmem>> -> memref<1x50x32xf32, #tpu.memory_space<vmem>>
    %dma_start3A_75 = tpu.memref_squeeze %dma_start3A_74 : memref<1x50x32xf32, #tpu.memory_space<vmem>> -> memref<50x32xf32, #tpu.memory_space<vmem>>
    %dma_start3A_76 = arith.constant 0 : i32
    %dma_start3A_77 = tpu.memref_slice %arg6[%dma_start3A_70, %dma_start3A_76] : memref<512x50xi32, #tpu.memory_space<vmem>> -> memref<1x50xi32, #tpu.memory_space<vmem>>
    %dma_start3A_78 = tpu.memref_squeeze %dma_start3A_77 : memref<1x50xi32, #tpu.memory_space<vmem>> -> memref<50xi32, #tpu.memory_space<vmem>>
    %dma_start3A_79 = arith.constant 0 : i32
    %dma_start3A_80 = arith.constant 0 : i32
    %dma_start3A_81 = tpu.memref_slice %arg3[%dma_start3A_79, %dma_start3A_80] : memref<1000000x32xf32, #tpu.memory_space<hbm>> -> memref<1000000x32xf32, #tpu.memory_space<hbm>>
    tpu.enqueue_indirect_dma source(%dma_start3A_81 : memref<1000000x32xf32, #tpu.memory_space<hbm>>) target(%dma_start3A_75 : memref<50x32xf32, #tpu.memory_space<vmem>>) offsets(%dma_start3A_78 : memref<50xi32, #tpu.memory_space<vmem>>) semaphore(%arg9 : memref<!tpu.dma_semaphore, #tpu.memory_space<semaphore_mem>>)
    %dma_start3A_82 = arith.constant 6 : i32
    %dma_start3A_83 = arith.constant 6 : i32
    %dma_start3A_84 = arith.constant 0 : i32
    %dma_start3A_85 = arith.constant 0 : i32
    %dma_start3A_86 = tpu.memref_slice %arg7[%dma_start3A_83, %dma_start3A_84, %dma_start3A_85] : memref<16x50x32xf32, #tpu.memory_space<vmem>> -> memref<1x50x32xf32, #tpu.memory_space<vmem>>
    %dma_start3A_87 = tpu.memref_squeeze %dma_start3A_86 : memref<1x50x32xf32, #tpu.memory_space<vmem>> -> memref<50x32xf32, #tpu.memory_space<vmem>>
    %dma_start3A_88 = arith.constant 0 : i32
    %dma_start3A_89 = tpu.memref_slice %arg6[%dma_start3A_82, %dma_start3A_88] : memref<512x50xi32, #tpu.memory_space<vmem>> -> memref<1x50xi32, #tpu.memory_space<vmem>>
    %dma_start3A_90 = tpu.memref_squeeze %dma_start3A_89 : memref<1x50xi32, #tpu.memory_space<vmem>> -> memref<50xi32, #tpu.memory_space<vmem>>
    %dma_start3A_91 = arith.constant 0 : i32
    %dma_start3A_92 = arith.constant 0 : i32
    %dma_start3A_93 = tpu.memref_slice %arg3[%dma_start3A_91, %dma_start3A_92] : memref<1000000x32xf32, #tpu.memory_space<hbm>> -> memref<1000000x32xf32, #tpu.memory_space<hbm>>
    tpu.enqueue_indirect_dma source(%dma_start3A_93 : memref<1000000x32xf32, #tpu.memory_space<hbm>>) target(%dma_start3A_87 : memref<50x32xf32, #tpu.memory_space<vmem>>) offsets(%dma_start3A_90 : memref<50xi32, #tpu.memory_space<vmem>>) semaphore(%arg9 : memref<!tpu.dma_semaphore, #tpu.memory_space<semaphore_mem>>)
    %dma_start3A_94 = arith.constant 7 : i32
    %dma_start3A_95 = arith.constant 7 : i32
    %dma_start3A_96 = arith.constant 0 : i32
    %dma_start3A_97 = arith.constant 0 : i32
    %dma_start3A_98 = tpu.memref_slice %arg7[%dma_start3A_95, %dma_start3A_96, %dma_start3A_97] : memref<16x50x32xf32, #tpu.memory_space<vmem>> -> memref<1x50x32xf32, #tpu.memory_space<vmem>>
    %dma_start3A_99 = tpu.memref_squeeze %dma_start3A_98 : memref<1x50x32xf32, #tpu.memory_space<vmem>> -> memref<50x32xf32, #tpu.memory_space<vmem>>
    %dma_start3A_100 = arith.constant 0 : i32
    %dma_start3A_101 = tpu.memref_slice %arg6[%dma_start3A_94, %dma_start3A_100] : memref<512x50xi32, #tpu.memory_space<vmem>> -> memref<1x50xi32, #tpu.memory_space<vmem>>
    %dma_start3A_102 = tpu.memref_squeeze %dma_start3A_101 : memref<1x50xi32, #tpu.memory_space<vmem>> -> memref<50xi32, #tpu.memory_space<vmem>>
    %dma_start3A_103 = arith.constant 0 : i32
    %dma_start3A_104 = arith.constant 0 : i32
    %dma_start3A_105 = tpu.memref_slice %arg3[%dma_start3A_103, %dma_start3A_104] : memref<1000000x32xf32, #tpu.memory_space<hbm>> -> memref<1000000x32xf32, #tpu.memory_space<hbm>>
    tpu.enqueue_indirect_dma source(%dma_start3A_105 : memref<1000000x32xf32, #tpu.memory_space<hbm>>) target(%dma_start3A_99 : memref<50x32xf32, #tpu.memory_space<vmem>>) offsets(%dma_start3A_102 : memref<50xi32, #tpu.memory_space<vmem>>) semaphore(%arg9 : memref<!tpu.dma_semaphore, #tpu.memory_space<semaphore_mem>>)
    %dma_start3A_106 = arith.constant 8 : i32
    %dma_start3A_107 = arith.constant 8 : i32
    %dma_start3A_108 = arith.constant 0 : i32
    %dma_start3A_109 = arith.constant 0 : i32
    %dma_start3A_110 = tpu.memref_slice %arg7[%dma_start3A_107, %dma_start3A_108, %dma_start3A_109] : memref<16x50x32xf32, #tpu.memory_space<vmem>> -> memref<1x50x32xf32, #tpu.memory_space<vmem>>
    %dma_start3A_111 = tpu.memref_squeeze %dma_start3A_110 : memref<1x50x32xf32, #tpu.memory_space<vmem>> -> memref<50x32xf32, #tpu.memory_space<vmem>>
    %dma_start3A_112 = arith.constant 0 : i32
    %dma_start3A_113 = tpu.memref_slice %arg6[%dma_start3A_106, %dma_start3A_112] : memref<512x50xi32, #tpu.memory_space<vmem>> -> memref<1x50xi32, #tpu.memory_space<vmem>>
    %dma_start3A_114 = tpu.memref_squeeze %dma_start3A_113 : memref<1x50xi32, #tpu.memory_space<vmem>> -> memref<50xi32, #tpu.memory_space<vmem>>
    %dma_start3A_115 = arith.constant 0 : i32
    %dma_start3A_116 = arith.constant 0 : i32
    %dma_start3A_117 = tpu.memref_slice %arg3[%dma_start3A_115, %dma_start3A_116] : memref<1000000x32xf32, #tpu.memory_space<hbm>> -> memref<1000000x32xf32, #tpu.memory_space<hbm>>
    tpu.enqueue_indirect_dma source(%dma_start3A_117 : memref<1000000x32xf32, #tpu.memory_space<hbm>>) target(%dma_start3A_111 : memref<50x32xf32, #tpu.memory_space<vmem>>) offsets(%dma_start3A_114 : memref<50xi32, #tpu.memory_space<vmem>>) semaphore(%arg9 : memref<!tpu.dma_semaphore, #tpu.memory_space<semaphore_mem>>)
    %dma_start3A_118 = arith.constant 9 : i32
    %dma_start3A_119 = arith.constant 9 : i32
    %dma_start3A_120 = arith.constant 0 : i32
    %dma_start3A_121 = arith.constant 0 : i32
    %dma_start3A_122 = tpu.memref_slice %arg7[%dma_start3A_119, %dma_start3A_120, %dma_start3A_121] : memref<16x50x32xf32, #tpu.memory_space<vmem>> -> memref<1x50x32xf32, #tpu.memory_space<vmem>>
    %dma_start3A_123 = tpu.memref_squeeze %dma_start3A_122 : memref<1x50x32xf32, #tpu.memory_space<vmem>> -> memref<50x32xf32, #tpu.memory_space<vmem>>
    %dma_start3A_124 = arith.constant 0 : i32
    %dma_start3A_125 = tpu.memref_slice %arg6[%dma_start3A_118, %dma_start3A_124] : memref<512x50xi32, #tpu.memory_space<vmem>> -> memref<1x50xi32, #tpu.memory_space<vmem>>
    %dma_start3A_126 = tpu.memref_squeeze %dma_start3A_125 : memref<1x50xi32, #tpu.memory_space<vmem>> -> memref<50xi32, #tpu.memory_space<vmem>>
    %dma_start3A_127 = arith.constant 0 : i32
    %dma_start3A_128 = arith.constant 0 : i32
    %dma_start3A_129 = tpu.memref_slice %arg3[%dma_start3A_127, %dma_start3A_128] : memref<1000000x32xf32, #tpu.memory_space<hbm>> -> memref<1000000x32xf32, #tpu.memory_space<hbm>>
    tpu.enqueue_indirect_dma source(%dma_start3A_129 : memref<1000000x32xf32, #tpu.memory_space<hbm>>) target(%dma_start3A_123 : memref<50x32xf32, #tpu.memory_space<vmem>>) offsets(%dma_start3A_126 : memref<50xi32, #tpu.memory_space<vmem>>) semaphore(%arg9 : memref<!tpu.dma_semaphore, #tpu.memory_space<semaphore_mem>>)
    %dma_start3A_130 = arith.constant 10 : i32
    %dma_start3A_131 = arith.constant 10 : i32
    %dma_start3A_132 = arith.constant 0 : i32
    %dma_start3A_133 = arith.constant 0 : i32
    %dma_start3A_134 = tpu.memref_slice %arg7[%dma_start3A_131, %dma_start3A_132, %dma_start3A_133] : memref<16x50x32xf32, #tpu.memory_space<vmem>> -> memref<1x50x32xf32, #tpu.memory_space<vmem>>
    %dma_start3A_135 = tpu.memref_squeeze %dma_start3A_134 : memref<1x50x32xf32, #tpu.memory_space<vmem>> -> memref<50x32xf32, #tpu.memory_space<vmem>>
    %dma_start3A_136 = arith.constant 0 : i32
    %dma_start3A_137 = tpu.memref_slice %arg6[%dma_start3A_130, %dma_start3A_136] : memref<512x50xi32, #tpu.memory_space<vmem>> -> memref<1x50xi32, #tpu.memory_space<vmem>>
    %dma_start3A_138 = tpu.memref_squeeze %dma_start3A_137 : memref<1x50xi32, #tpu.memory_space<vmem>> -> memref<50xi32, #tpu.memory_space<vmem>>
    %dma_start3A_139 = arith.constant 0 : i32
    %dma_start3A_140 = arith.constant 0 : i32
    %dma_start3A_141 = tpu.memref_slice %arg3[%dma_start3A_139, %dma_start3A_140] : memref<1000000x32xf32, #tpu.memory_space<hbm>> -> memref<1000000x32xf32, #tpu.memory_space<hbm>>
    tpu.enqueue_indirect_dma source(%dma_start3A_141 : memref<1000000x32xf32, #tpu.memory_space<hbm>>) target(%dma_start3A_135 : memref<50x32xf32, #tpu.memory_space<vmem>>) offsets(%dma_start3A_138 : memref<50xi32, #tpu.memory_space<vmem>>) semaphore(%arg9 : memref<!tpu.dma_semaphore, #tpu.memory_space<semaphore_mem>>)
    %dma_start3A_142 = arith.constant 11 : i32
    %dma_start3A_143 = arith.constant 11 : i32
    %dma_start3A_144 = arith.constant 0 : i32
    %dma_start3A_145 = arith.constant 0 : i32
    %dma_start3A_146 = tpu.memref_slice %arg7[%dma_start3A_143, %dma_start3A_144, %dma_start3A_145] : memref<16x50x32xf32, #tpu.memory_space<vmem>> -> memref<1x50x32xf32, #tpu.memory_space<vmem>>
    %dma_start3A_147 = tpu.memref_squeeze %dma_start3A_146 : memref<1x50x32xf32, #tpu.memory_space<vmem>> -> memref<50x32xf32, #tpu.memory_space<vmem>>
    %dma_start3A_148 = arith.constant 0 : i32
    %dma_start3A_149 = tpu.memref_slice %arg6[%dma_start3A_142, %dma_start3A_148] : memref<512x50xi32, #tpu.memory_space<vmem>> -> memref<1x50xi32, #tpu.memory_space<vmem>>
    %dma_start3A_150 = tpu.memref_squeeze %dma_start3A_149 : memref<1x50xi32, #tpu.memory_space<vmem>> -> memref<50xi32, #tpu.memory_space<vmem>>
    %dma_start3A_151 = arith.constant 0 : i32
    %dma_start3A_152 = arith.constant 0 : i32
    %dma_start3A_153 = tpu.memref_slice %arg3[%dma_start3A_151, %dma_start3A_152] : memref<1000000x32xf32, #tpu.memory_space<hbm>> -> memref<1000000x32xf32, #tpu.memory_space<hbm>>
    tpu.enqueue_indirect_dma source(%dma_start3A_153 : memref<1000000x32xf32, #tpu.memory_space<hbm>>) target(%dma_start3A_147 : memref<50x32xf32, #tpu.memory_space<vmem>>) offsets(%dma_start3A_150 : memref<50xi32, #tpu.memory_space<vmem>>) semaphore(%arg9 : memref<!tpu.dma_semaphore, #tpu.memory_space<semaphore_mem>>)
    %dma_start3A_154 = arith.constant 12 : i32
    %dma_start3A_155 = arith.constant 12 : i32
    %dma_start3A_156 = arith.constant 0 : i32
    %dma_start3A_157 = arith.constant 0 : i32
    %dma_start3A_158 = tpu.memref_slice %arg7[%dma_start3A_155, %dma_start3A_156, %dma_start3A_157] : memref<16x50x32xf32, #tpu.memory_space<vmem>> -> memref<1x50x32xf32, #tpu.memory_space<vmem>>
    %dma_start3A_159 = tpu.memref_squeeze %dma_start3A_158 : memref<1x50x32xf32, #tpu.memory_space<vmem>> -> memref<50x32xf32, #tpu.memory_space<vmem>>
    %dma_start3A_160 = arith.constant 0 : i32
    %dma_start3A_161 = tpu.memref_slice %arg6[%dma_start3A_154, %dma_start3A_160] : memref<512x50xi32, #tpu.memory_space<vmem>> -> memref<1x50xi32, #tpu.memory_space<vmem>>
    %dma_start3A_162 = tpu.memref_squeeze %dma_start3A_161 : memref<1x50xi32, #tpu.memory_space<vmem>> -> memref<50xi32, #tpu.memory_space<vmem>>
    %dma_start3A_163 = arith.constant 0 : i32
    %dma_start3A_164 = arith.constant 0 : i32
    %dma_start3A_165 = tpu.memref_slice %arg3[%dma_start3A_163, %dma_start3A_164] : memref<1000000x32xf32, #tpu.memory_space<hbm>> -> memref<1000000x32xf32, #tpu.memory_space<hbm>>
    tpu.enqueue_indirect_dma source(%dma_start3A_165 : memref<1000000x32xf32, #tpu.memory_space<hbm>>) target(%dma_start3A_159 : memref<50x32xf32, #tpu.memory_space<vmem>>) offsets(%dma_start3A_162 : memref<50xi32, #tpu.memory_space<vmem>>) semaphore(%arg9 : memref<!tpu.dma_semaphore, #tpu.memory_space<semaphore_mem>>)
    %dma_start3A_166 = arith.constant 13 : i32
    %dma_start3A_167 = arith.constant 13 : i32
    %dma_start3A_168 = arith.constant 0 : i32
    %dma_start3A_169 = arith.constant 0 : i32
    %dma_start3A_170 = tpu.memref_slice %arg7[%dma_start3A_167, %dma_start3A_168, %dma_start3A_169] : memref<16x50x32xf32, #tpu.memory_space<vmem>> -> memref<1x50x32xf32, #tpu.memory_space<vmem>>
    %dma_start3A_171 = tpu.memref_squeeze %dma_start3A_170 : memref<1x50x32xf32, #tpu.memory_space<vmem>> -> memref<50x32xf32, #tpu.memory_space<vmem>>
    %dma_start3A_172 = arith.constant 0 : i32
    %dma_start3A_173 = tpu.memref_slice %arg6[%dma_start3A_166, %dma_start3A_172] : memref<512x50xi32, #tpu.memory_space<vmem>> -> memref<1x50xi32, #tpu.memory_space<vmem>>
    %dma_start3A_174 = tpu.memref_squeeze %dma_start3A_173 : memref<1x50xi32, #tpu.memory_space<vmem>> -> memref<50xi32, #tpu.memory_space<vmem>>
    %dma_start3A_175 = arith.constant 0 : i32
    %dma_start3A_176 = arith.constant 0 : i32
    %dma_start3A_177 = tpu.memref_slice %arg3[%dma_start3A_175, %dma_start3A_176] : memref<1000000x32xf32, #tpu.memory_space<hbm>> -> memref<1000000x32xf32, #tpu.memory_space<hbm>>
    tpu.enqueue_indirect_dma source(%dma_start3A_177 : memref<1000000x32xf32, #tpu.memory_space<hbm>>) target(%dma_start3A_171 : memref<50x32xf32, #tpu.memory_space<vmem>>) offsets(%dma_start3A_174 : memref<50xi32, #tpu.memory_space<vmem>>) semaphore(%arg9 : memref<!tpu.dma_semaphore, #tpu.memory_space<semaphore_mem>>)
    %dma_start3A_178 = arith.constant 14 : i32
    %dma_start3A_179 = arith.constant 14 : i32
    %dma_start3A_180 = arith.constant 0 : i32
    %dma_start3A_181 = arith.constant 0 : i32
    %dma_start3A_182 = tpu.memref_slice %arg7[%dma_start3A_179, %dma_start3A_180, %dma_start3A_181] : memref<16x50x32xf32, #tpu.memory_space<vmem>> -> memref<1x50x32xf32, #tpu.memory_space<vmem>>
    %dma_start3A_183 = tpu.memref_squeeze %dma_start3A_182 : memref<1x50x32xf32, #tpu.memory_space<vmem>> -> memref<50x32xf32, #tpu.memory_space<vmem>>
    %dma_start3A_184 = arith.constant 0 : i32
    %dma_start3A_185 = tpu.memref_slice %arg6[%dma_start3A_178, %dma_start3A_184] : memref<512x50xi32, #tpu.memory_space<vmem>> -> memref<1x50xi32, #tpu.memory_space<vmem>>
    %dma_start3A_186 = tpu.memref_squeeze %dma_start3A_185 : memref<1x50xi32, #tpu.memory_space<vmem>> -> memref<50xi32, #tpu.memory_space<vmem>>
    %dma_start3A_187 = arith.constant 0 : i32
    %dma_start3A_188 = arith.constant 0 : i32
    %dma_start3A_189 = tpu.memref_slice %arg3[%dma_start3A_187, %dma_start3A_188] : memref<1000000x32xf32, #tpu.memory_space<hbm>> -> memref<1000000x32xf32, #tpu.memory_space<hbm>>
    tpu.enqueue_indirect_dma source(%dma_start3A_189 : memref<1000000x32xf32, #tpu.memory_space<hbm>>) target(%dma_start3A_183 : memref<50x32xf32, #tpu.memory_space<vmem>>) offsets(%dma_start3A_186 : memref<50xi32, #tpu.memory_space<vmem>>) semaphore(%arg9 : memref<!tpu.dma_semaphore, #tpu.memory_space<semaphore_mem>>)
    %dma_start3A_190 = arith.constant 15 : i32
    %dma_start3A_191 = arith.constant 15 : i32
    %dma_start3A_192 = arith.constant 0 : i32
    %dma_start3A_193 = arith.constant 0 : i32
    %dma_start3A_194 = tpu.memref_slice %arg7[%dma_start3A_191, %dma_start3A_192, %dma_start3A_193] : memref<16x50x32xf32, #tpu.memory_space<vmem>> -> memref<1x50x32xf32, #tpu.memory_space<vmem>>
    %dma_start3A_195 = tpu.memref_squeeze %dma_start3A_194 : memref<1x50x32xf32, #tpu.memory_space<vmem>> -> memref<50x32xf32, #tpu.memory_space<vmem>>
    %dma_start3A_196 = arith.constant 0 : i32
    %dma_start3A_197 = tpu.memref_slice %arg6[%dma_start3A_190, %dma_start3A_196] : memref<512x50xi32, #tpu.memory_space<vmem>> -> memref<1x50xi32, #tpu.memory_space<vmem>>
    %dma_start3A_198 = tpu.memref_squeeze %dma_start3A_197 : memref<1x50xi32, #tpu.memory_space<vmem>> -> memref<50xi32, #tpu.memory_space<vmem>>
    %dma_start3A_199 = arith.constant 0 : i32
    %dma_start3A_200 = arith.constant 0 : i32
    %dma_start3A_201 = tpu.memref_slice %arg3[%dma_start3A_199, %dma_start3A_200] : memref<1000000x32xf32, #tpu.memory_space<hbm>> -> memref<1000000x32xf32, #tpu.memory_space<hbm>>
    tpu.enqueue_indirect_dma source(%dma_start3A_201 : memref<1000000x32xf32, #tpu.memory_space<hbm>>) target(%dma_start3A_195 : memref<50x32xf32, #tpu.memory_space<vmem>>) offsets(%dma_start3A_198 : memref<50xi32, #tpu.memory_space<vmem>>) semaphore(%arg9 : memref<!tpu.dma_semaphore, #tpu.memory_space<semaphore_mem>>)
    %scan3A_202 = arith.constant 0 : i32
    %scan3A_203 = arith.constant 0 : i32
    %scan3A_204 = arith.constant 16 : i32
    %scan3A_205 = arith.addi %scan3A_203, %scan3A_204 : i32
    %scan3A_206 = arith.constant 1 : i32
    %scan3A_207 = scf.for %scan3A_216 = %scan3A_203 to %scan3A_205 step %scan3A_206 iter_args(%scan3A_217 = %scan3A_202) -> (i32)  : i32 {
      %mul3A_218 = arith.constant 2 : i32
      %mul3A_219 = arith.muli %mul3A_218, %scan3A_216 : i32
      %mul3A_220 = arith.constant 2 : i32
      %mul3A_221 = arith.muli %mul3A_220, %scan3A_216 : i32
      %add3A_222 = arith.constant 1 : i32
      %add3A_223 = arith.addi %mul3A_221, %add3A_222 : i32
      %mul3A_224 = arith.constant 16 : i32
      %mul3A_225 = arith.muli %mul3A_219, %mul3A_224 : i32
      %add3A_226 = arith.constant 0 : i32
      %add3A_227 = arith.addi %mul3A_225, %add3A_226 : i32
      %dma_wait3A_228 = arith.constant 0 : i32
      %dma_wait3A_229 = arith.constant 0 : i32
      %dma_wait3A_230 = arith.constant 0 : i32
      %dma_wait3A_231 = tpu.memref_slice %arg7[%dma_wait3A_228, %dma_wait3A_229, %dma_wait3A_230] : memref<16x50x32xf32, #tpu.memory_space<vmem>> -> memref<1x50x32xf32, #tpu.memory_space<vmem>>
      %dma_wait3A_232 = tpu.memref_squeeze %dma_wait3A_231 : memref<1x50x32xf32, #tpu.memory_space<vmem>> -> memref<50x32xf32, #tpu.memory_space<vmem>>
      %dma_wait3A_233 = arith.constant 0 : i32
      %dma_wait3A_234 = tpu.memref_slice %arg6[%add3A_227, %dma_wait3A_233] : memref<512x50xi32, #tpu.memory_space<vmem>> -> memref<1x50xi32, #tpu.memory_space<vmem>>
      %dma_wait3A_235 = tpu.memref_squeeze %dma_wait3A_234 : memref<1x50xi32, #tpu.memory_space<vmem>> -> memref<50xi32, #tpu.memory_space<vmem>>
      %dma_wait3A_236 = arith.constant 0 : i32
      %dma_wait3A_237 = arith.constant 0 : i32
      %dma_wait3A_238 = tpu.memref_slice %arg3[%dma_wait3A_236, %dma_wait3A_237] : memref<1000000x32xf32, #tpu.memory_space<hbm>> -> memref<1000000x32xf32, #tpu.memory_space<hbm>>
      tpu.wait_indirect_dma semaphore(%arg9 : memref<!tpu.dma_semaphore, #tpu.memory_space<semaphore_mem>>) src(%dma_wait3A_238 : memref<1000000x32xf32, #tpu.memory_space<hbm>>) dst(%dma_wait3A_232 : memref<50x32xf32, #tpu.memory_space<vmem>>)
      %mul3A_239 = arith.constant 16 : i32
      %mul3A_240 = arith.muli %mul3A_219, %mul3A_239 : i32
      %add3A_241 = arith.constant 1 : i32
      %add3A_242 = arith.addi %mul3A_240, %add3A_241 : i32
      %dma_wait3A_243 = arith.constant 1 : i32
      %dma_wait3A_244 = arith.constant 0 : i32
      %dma_wait3A_245 = arith.constant 0 : i32
      %dma_wait3A_246 = tpu.memref_slice %arg7[%dma_wait3A_243, %dma_wait3A_244, %dma_wait3A_245] : memref<16x50x32xf32, #tpu.memory_space<vmem>> -> memref<1x50x32xf32, #tpu.memory_space<vmem>>
      %dma_wait3A_247 = tpu.memref_squeeze %dma_wait3A_246 : memref<1x50x32xf32, #tpu.memory_space<vmem>> -> memref<50x32xf32, #tpu.memory_space<vmem>>
      %dma_wait3A_248 = arith.constant 0 : i32
      %dma_wait3A_249 = tpu.memref_slice %arg6[%add3A_242, %dma_wait3A_248] : memref<512x50xi32, #tpu.memory_space<vmem>> -> memref<1x50xi32, #tpu.memory_space<vmem>>
      %dma_wait3A_250 = tpu.memref_squeeze %dma_wait3A_249 : memref<1x50xi32, #tpu.memory_space<vmem>> -> memref<50xi32, #tpu.memory_space<vmem>>
      %dma_wait3A_251 = arith.constant 0 : i32
      %dma_wait3A_252 = arith.constant 0 : i32
      %dma_wait3A_253 = tpu.memref_slice %arg3[%dma_wait3A_251, %dma_wait3A_252] : memref<1000000x32xf32, #tpu.memory_space<hbm>> -> memref<1000000x32xf32, #tpu.memory_space<hbm>>
      tpu.wait_indirect_dma semaphore(%arg9 : memref<!tpu.dma_semaphore, #tpu.memory_space<semaphore_mem>>) src(%dma_wait3A_253 : memref<1000000x32xf32, #tpu.memory_space<hbm>>) dst(%dma_wait3A_247 : memref<50x32xf32, #tpu.memory_space<vmem>>)
      %mul3A_254 = arith.constant 16 : i32
      %mul3A_255 = arith.muli %mul3A_219, %mul3A_254 : i32
      %add3A_256 = arith.constant 2 : i32
      %add3A_257 = arith.addi %mul3A_255, %add3A_256 : i32
      %dma_wait3A_258 = arith.constant 2 : i32
      %dma_wait3A_259 = arith.constant 0 : i32
      %dma_wait3A_260 = arith.constant 0 : i32
      %dma_wait3A_261 = tpu.memref_slice %arg7[%dma_wait3A_258, %dma_wait3A_259, %dma_wait3A_260] : memref<16x50x32xf32, #tpu.memory_space<vmem>> -> memref<1x50x32xf32, #tpu.memory_space<vmem>>
      %dma_wait3A_262 = tpu.memref_squeeze %dma_wait3A_261 : memref<1x50x32xf32, #tpu.memory_space<vmem>> -> memref<50x32xf32, #tpu.memory_space<vmem>>
      %dma_wait3A_263 = arith.constant 0 : i32
      %dma_wait3A_264 = tpu.memref_slice %arg6[%add3A_257, %dma_wait3A_263] : memref<512x50xi32, #tpu.memory_space<vmem>> -> memref<1x50xi32, #tpu.memory_space<vmem>>
      %dma_wait3A_265 = tpu.memref_squeeze %dma_wait3A_264 : memref<1x50xi32, #tpu.memory_space<vmem>> -> memref<50xi32, #tpu.memory_space<vmem>>
      %dma_wait3A_266 = arith.constant 0 : i32
      %dma_wait3A_267 = arith.constant 0 : i32
      %dma_wait3A_268 = tpu.memref_slice %arg3[%dma_wait3A_266, %dma_wait3A_267] : memref<1000000x32xf32, #tpu.memory_space<hbm>> -> memref<1000000x32xf32, #tpu.memory_space<hbm>>
      tpu.wait_indirect_dma semaphore(%arg9 : memref<!tpu.dma_semaphore, #tpu.memory_space<semaphore_mem>>) src(%dma_wait3A_268 : memref<1000000x32xf32, #tpu.memory_space<hbm>>) dst(%dma_wait3A_262 : memref<50x32xf32, #tpu.memory_space<vmem>>)
      %mul3A_269 = arith.constant 16 : i32
      %mul3A_270 = arith.muli %mul3A_219, %mul3A_269 : i32
      %add3A_271 = arith.constant 3 : i32
      %add3A_272 = arith.addi %mul3A_270, %add3A_271 : i32
      %dma_wait3A_273 = arith.constant 3 : i32
      %dma_wait3A_274 = arith.constant 0 : i32
      %dma_wait3A_275 = arith.constant 0 : i32
      %dma_wait3A_276 = tpu.memref_slice %arg7[%dma_wait3A_273, %dma_wait3A_274, %dma_wait3A_275] : memref<16x50x32xf32, #tpu.memory_space<vmem>> -> memref<1x50x32xf32, #tpu.memory_space<vmem>>
      %dma_wait3A_277 = tpu.memref_squeeze %dma_wait3A_276 : memref<1x50x32xf32, #tpu.memory_space<vmem>> -> memref<50x32xf32, #tpu.memory_space<vmem>>
      %dma_wait3A_278 = arith.constant 0 : i32
      %dma_wait3A_279 = tpu.memref_slice %arg6[%add3A_272, %dma_wait3A_278] : memref<512x50xi32, #tpu.memory_space<vmem>> -> memref<1x50xi32, #tpu.memory_space<vmem>>
      %dma_wait3A_280 = tpu.memref_squeeze %dma_wait3A_279 : memref<1x50xi32, #tpu.memory_space<vmem>> -> memref<50xi32, #tpu.memory_space<vmem>>
      %dma_wait3A_281 = arith.constant 0 : i32
      %dma_wait3A_282 = arith.constant 0 : i32
      %dma_wait3A_283 = tpu.memref_slice %arg3[%dma_wait3A_281, %dma_wait3A_282] : memref<1000000x32xf32, #tpu.memory_space<hbm>> -> memref<1000000x32xf32, #tpu.memory_space<hbm>>
      tpu.wait_indirect_dma semaphore(%arg9 : memref<!tpu.dma_semaphore, #tpu.memory_space<semaphore_mem>>) src(%dma_wait3A_283 : memref<1000000x32xf32, #tpu.memory_space<hbm>>) dst(%dma_wait3A_277 : memref<50x32xf32, #tpu.memory_space<vmem>>)
      %mul3A_284 = arith.constant 16 : i32
      %mul3A_285 = arith.muli %mul3A_219, %mul3A_284 : i32
      %add3A_286 = arith.constant 4 : i32
      %add3A_287 = arith.addi %mul3A_285, %add3A_286 : i32
      %dma_wait3A_288 = arith.constant 4 : i32
      %dma_wait3A_289 = arith.constant 0 : i32
      %dma_wait3A_290 = arith.constant 0 : i32
      %dma_wait3A_291 = tpu.memref_slice %arg7[%dma_wait3A_288, %dma_wait3A_289, %dma_wait3A_290] : memref<16x50x32xf32, #tpu.memory_space<vmem>> -> memref<1x50x32xf32, #tpu.memory_space<vmem>>
      %dma_wait3A_292 = tpu.memref_squeeze %dma_wait3A_291 : memref<1x50x32xf32, #tpu.memory_space<vmem>> -> memref<50x32xf32, #tpu.memory_space<vmem>>
      %dma_wait3A_293 = arith.constant 0 : i32
      %dma_wait3A_294 = tpu.memref_slice %arg6[%add3A_287, %dma_wait3A_293] : memref<512x50xi32, #tpu.memory_space<vmem>> -> memref<1x50xi32, #tpu.memory_space<vmem>>
      %dma_wait3A_295 = tpu.memref_squeeze %dma_wait3A_294 : memref<1x50xi32, #tpu.memory_space<vmem>> -> memref<50xi32, #tpu.memory_space<vmem>>
      %dma_wait3A_296 = arith.constant 0 : i32
      %dma_wait3A_297 = arith.constant 0 : i32
      %dma_wait3A_298 = tpu.memref_slice %arg3[%dma_wait3A_296, %dma_wait3A_297] : memref<1000000x32xf32, #tpu.memory_space<hbm>> -> memref<1000000x32xf32, #tpu.memory_space<hbm>>
      tpu.wait_indirect_dma semaphore(%arg9 : memref<!tpu.dma_semaphore, #tpu.memory_space<semaphore_mem>>) src(%dma_wait3A_298 : memref<1000000x32xf32, #tpu.memory_space<hbm>>) dst(%dma_wait3A_292 : memref<50x32xf32, #tpu.memory_space<vmem>>)
      %mul3A_299 = arith.constant 16 : i32
      %mul3A_300 = arith.muli %mul3A_219, %mul3A_299 : i32
      %add3A_301 = arith.constant 5 : i32
      %add3A_302 = arith.addi %mul3A_300, %add3A_301 : i32
      %dma_wait3A_303 = arith.constant 5 : i32
      %dma_wait3A_304 = arith.constant 0 : i32
      %dma_wait3A_305 = arith.constant 0 : i32
      %dma_wait3A_306 = tpu.memref_slice %arg7[%dma_wait3A_303, %dma_wait3A_304, %dma_wait3A_305] : memref<16x50x32xf32, #tpu.memory_space<vmem>> -> memref<1x50x32xf32, #tpu.memory_space<vmem>>
      %dma_wait3A_307 = tpu.memref_squeeze %dma_wait3A_306 : memref<1x50x32xf32, #tpu.memory_space<vmem>> -> memref<50x32xf32, #tpu.memory_space<vmem>>
      %dma_wait3A_308 = arith.constant 0 : i32
      %dma_wait3A_309 = tpu.memref_slice %arg6[%add3A_302, %dma_wait3A_308] : memref<512x50xi32, #tpu.memory_space<vmem>> -> memref<1x50xi32, #tpu.memory_space<vmem>>
      %dma_wait3A_310 = tpu.memref_squeeze %dma_wait3A_309 : memref<1x50xi32, #tpu.memory_space<vmem>> -> memref<50xi32, #tpu.memory_space<vmem>>
      %dma_wait3A_311 = arith.constant 0 : i32
      %dma_wait3A_312 = arith.constant 0 : i32
      %dma_wait3A_313 = tpu.memref_slice %arg3[%dma_wait3A_311, %dma_wait3A_312] : memref<1000000x32xf32, #tpu.memory_space<hbm>> -> memref<1000000x32xf32, #tpu.memory_space<hbm>>
      tpu.wait_indirect_dma semaphore(%arg9 : memref<!tpu.dma_semaphore, #tpu.memory_space<semaphore_mem>>) src(%dma_wait3A_313 : memref<1000000x32xf32, #tpu.memory_space<hbm>>) dst(%dma_wait3A_307 : memref<50x32xf32, #tpu.memory_space<vmem>>)
      %mul3A_314 = arith.constant 16 : i32
      %mul3A_315 = arith.muli %mul3A_219, %mul3A_314 : i32
      %add3A_316 = arith.constant 6 : i32
      %add3A_317 = arith.addi %mul3A_315, %add3A_316 : i32
      %dma_wait3A_318 = arith.constant 6 : i32
      %dma_wait3A_319 = arith.constant 0 : i32
      %dma_wait3A_320 = arith.constant 0 : i32
      %dma_wait3A_321 = tpu.memref_slice %arg7[%dma_wait3A_318, %dma_wait3A_319, %dma_wait3A_320] : memref<16x50x32xf32, #tpu.memory_space<vmem>> -> memref<1x50x32xf32, #tpu.memory_space<vmem>>
      %dma_wait3A_322 = tpu.memref_squeeze %dma_wait3A_321 : memref<1x50x32xf32, #tpu.memory_space<vmem>> -> memref<50x32xf32, #tpu.memory_space<vmem>>
      %dma_wait3A_323 = arith.constant 0 : i32
      %dma_wait3A_324 = tpu.memref_slice %arg6[%add3A_317, %dma_wait3A_323] : memref<512x50xi32, #tpu.memory_space<vmem>> -> memref<1x50xi32, #tpu.memory_space<vmem>>
      %dma_wait3A_325 = tpu.memref_squeeze %dma_wait3A_324 : memref<1x50xi32, #tpu.memory_space<vmem>> -> memref<50xi32, #tpu.memory_space<vmem>>
      %dma_wait3A_326 = arith.constant 0 : i32
      %dma_wait3A_327 = arith.constant 0 : i32
      %dma_wait3A_328 = tpu.memref_slice %arg3[%dma_wait3A_326, %dma_wait3A_327] : memref<1000000x32xf32, #tpu.memory_space<hbm>> -> memref<1000000x32xf32, #tpu.memory_space<hbm>>
      tpu.wait_indirect_dma semaphore(%arg9 : memref<!tpu.dma_semaphore, #tpu.memory_space<semaphore_mem>>) src(%dma_wait3A_328 : memref<1000000x32xf32, #tpu.memory_space<hbm>>) dst(%dma_wait3A_322 : memref<50x32xf32, #tpu.memory_space<vmem>>)
      %mul3A_329 = arith.constant 16 : i32
      %mul3A_330 = arith.muli %mul3A_219, %mul3A_329 : i32
      %add3A_331 = arith.constant 7 : i32
      %add3A_332 = arith.addi %mul3A_330, %add3A_331 : i32
      %dma_wait3A_333 = arith.constant 7 : i32
      %dma_wait3A_334 = arith.constant 0 : i32
      %dma_wait3A_335 = arith.constant 0 : i32
      %dma_wait3A_336 = tpu.memref_slice %arg7[%dma_wait3A_333, %dma_wait3A_334, %dma_wait3A_335] : memref<16x50x32xf32, #tpu.memory_space<vmem>> -> memref<1x50x32xf32, #tpu.memory_space<vmem>>
      %dma_wait3A_337 = tpu.memref_squeeze %dma_wait3A_336 : memref<1x50x32xf32, #tpu.memory_space<vmem>> -> memref<50x32xf32, #tpu.memory_space<vmem>>
      %dma_wait3A_338 = arith.constant 0 : i32
      %dma_wait3A_339 = tpu.memref_slice %arg6[%add3A_332, %dma_wait3A_338] : memref<512x50xi32, #tpu.memory_space<vmem>> -> memref<1x50xi32, #tpu.memory_space<vmem>>
      %dma_wait3A_340 = tpu.memref_squeeze %dma_wait3A_339 : memref<1x50xi32, #tpu.memory_space<vmem>> -> memref<50xi32, #tpu.memory_space<vmem>>
      %dma_wait3A_341 = arith.constant 0 : i32
      %dma_wait3A_342 = arith.constant 0 : i32
      %dma_wait3A_343 = tpu.memref_slice %arg3[%dma_wait3A_341, %dma_wait3A_342] : memref<1000000x32xf32, #tpu.memory_space<hbm>> -> memref<1000000x32xf32, #tpu.memory_space<hbm>>
      tpu.wait_indirect_dma semaphore(%arg9 : memref<!tpu.dma_semaphore, #tpu.memory_space<semaphore_mem>>) src(%dma_wait3A_343 : memref<1000000x32xf32, #tpu.memory_space<hbm>>) dst(%dma_wait3A_337 : memref<50x32xf32, #tpu.memory_space<vmem>>)
      %mul3A_344 = arith.constant 16 : i32
      %mul3A_345 = arith.muli %mul3A_219, %mul3A_344 : i32
      %add3A_346 = arith.constant 8 : i32
      %add3A_347 = arith.addi %mul3A_345, %add3A_346 : i32
      %dma_wait3A_348 = arith.constant 8 : i32
      %dma_wait3A_349 = arith.constant 0 : i32
      %dma_wait3A_350 = arith.constant 0 : i32
      %dma_wait3A_351 = tpu.memref_slice %arg7[%dma_wait3A_348, %dma_wait3A_349, %dma_wait3A_350] : memref<16x50x32xf32, #tpu.memory_space<vmem>> -> memref<1x50x32xf32, #tpu.memory_space<vmem>>
      %dma_wait3A_352 = tpu.memref_squeeze %dma_wait3A_351 : memref<1x50x32xf32, #tpu.memory_space<vmem>> -> memref<50x32xf32, #tpu.memory_space<vmem>>
      %dma_wait3A_353 = arith.constant 0 : i32
      %dma_wait3A_354 = tpu.memref_slice %arg6[%add3A_347, %dma_wait3A_353] : memref<512x50xi32, #tpu.memory_space<vmem>> -> memref<1x50xi32, #tpu.memory_space<vmem>>
      %dma_wait3A_355 = tpu.memref_squeeze %dma_wait3A_354 : memref<1x50xi32, #tpu.memory_space<vmem>> -> memref<50xi32, #tpu.memory_space<vmem>>
      %dma_wait3A_356 = arith.constant 0 : i32
      %dma_wait3A_357 = arith.constant 0 : i32
      %dma_wait3A_358 = tpu.memref_slice %arg3[%dma_wait3A_356, %dma_wait3A_357] : memref<1000000x32xf32, #tpu.memory_space<hbm>> -> memref<1000000x32xf32, #tpu.memory_space<hbm>>
      tpu.wait_indirect_dma semaphore(%arg9 : memref<!tpu.dma_semaphore, #tpu.memory_space<semaphore_mem>>) src(%dma_wait3A_358 : memref<1000000x32xf32, #tpu.memory_space<hbm>>) dst(%dma_wait3A_352 : memref<50x32xf32, #tpu.memory_space<vmem>>)
      %mul3A_359 = arith.constant 16 : i32
      %mul3A_360 = arith.muli %mul3A_219, %mul3A_359 : i32
      %add3A_361 = arith.constant 9 : i32
      %add3A_362 = arith.addi %mul3A_360, %add3A_361 : i32
      %dma_wait3A_363 = arith.constant 9 : i32
      %dma_wait3A_364 = arith.constant 0 : i32
      %dma_wait3A_365 = arith.constant 0 : i32
      %dma_wait3A_366 = tpu.memref_slice %arg7[%dma_wait3A_363, %dma_wait3A_364, %dma_wait3A_365] : memref<16x50x32xf32, #tpu.memory_space<vmem>> -> memref<1x50x32xf32, #tpu.memory_space<vmem>>
      %dma_wait3A_367 = tpu.memref_squeeze %dma_wait3A_366 : memref<1x50x32xf32, #tpu.memory_space<vmem>> -> memref<50x32xf32, #tpu.memory_space<vmem>>
      %dma_wait3A_368 = arith.constant 0 : i32
      %dma_wait3A_369 = tpu.memref_slice %arg6[%add3A_362, %dma_wait3A_368] : memref<512x50xi32, #tpu.memory_space<vmem>> -> memref<1x50xi32, #tpu.memory_space<vmem>>
      %dma_wait3A_370 = tpu.memref_squeeze %dma_wait3A_369 : memref<1x50xi32, #tpu.memory_space<vmem>> -> memref<50xi32, #tpu.memory_space<vmem>>
      %dma_wait3A_371 = arith.constant 0 : i32
      %dma_wait3A_372 = arith.constant 0 : i32
      %dma_wait3A_373 = tpu.memref_slice %arg3[%dma_wait3A_371, %dma_wait3A_372] : memref<1000000x32xf32, #tpu.memory_space<hbm>> -> memref<1000000x32xf32, #tpu.memory_space<hbm>>
      tpu.wait_indirect_dma semaphore(%arg9 : memref<!tpu.dma_semaphore, #tpu.memory_space<semaphore_mem>>) src(%dma_wait3A_373 : memref<1000000x32xf32, #tpu.memory_space<hbm>>) dst(%dma_wait3A_367 : memref<50x32xf32, #tpu.memory_space<vmem>>)
      %mul3A_374 = arith.constant 16 : i32
      %mul3A_375 = arith.muli %mul3A_219, %mul3A_374 : i32
      %add3A_376 = arith.constant 10 : i32
      %add3A_377 = arith.addi %mul3A_375, %add3A_376 : i32
      %dma_wait3A_378 = arith.constant 10 : i32
      %dma_wait3A_379 = arith.constant 0 : i32
      %dma_wait3A_380 = arith.constant 0 : i32
      %dma_wait3A_381 = tpu.memref_slice %arg7[%dma_wait3A_378, %dma_wait3A_379, %dma_wait3A_380] : memref<16x50x32xf32, #tpu.memory_space<vmem>> -> memref<1x50x32xf32, #tpu.memory_space<vmem>>
      %dma_wait3A_382 = tpu.memref_squeeze %dma_wait3A_381 : memref<1x50x32xf32, #tpu.memory_space<vmem>> -> memref<50x32xf32, #tpu.memory_space<vmem>>
      %dma_wait3A_383 = arith.constant 0 : i32
      %dma_wait3A_384 = tpu.memref_slice %arg6[%add3A_377, %dma_wait3A_383] : memref<512x50xi32, #tpu.memory_space<vmem>> -> memref<1x50xi32, #tpu.memory_space<vmem>>
      %dma_wait3A_385 = tpu.memref_squeeze %dma_wait3A_384 : memref<1x50xi32, #tpu.memory_space<vmem>> -> memref<50xi32, #tpu.memory_space<vmem>>
      %dma_wait3A_386 = arith.constant 0 : i32
      %dma_wait3A_387 = arith.constant 0 : i32
      %dma_wait3A_388 = tpu.memref_slice %arg3[%dma_wait3A_386, %dma_wait3A_387] : memref<1000000x32xf32, #tpu.memory_space<hbm>> -> memref<1000000x32xf32, #tpu.memory_space<hbm>>
      tpu.wait_indirect_dma semaphore(%arg9 : memref<!tpu.dma_semaphore, #tpu.memory_space<semaphore_mem>>) src(%dma_wait3A_388 : memref<1000000x32xf32, #tpu.memory_space<hbm>>) dst(%dma_wait3A_382 : memref<50x32xf32, #tpu.memory_space<vmem>>)
      %mul3A_389 = arith.constant 16 : i32
      %mul3A_390 = arith.muli %mul3A_219, %mul3A_389 : i32
      %add3A_391 = arith.constant 11 : i32
      %add3A_392 = arith.addi %mul3A_390, %add3A_391 : i32
      %dma_wait3A_393 = arith.constant 11 : i32
      %dma_wait3A_394 = arith.constant 0 : i32
      %dma_wait3A_395 = arith.constant 0 : i32
      %dma_wait3A_396 = tpu.memref_slice %arg7[%dma_wait3A_393, %dma_wait3A_394, %dma_wait3A_395] : memref<16x50x32xf32, #tpu.memory_space<vmem>> -> memref<1x50x32xf32, #tpu.memory_space<vmem>>
      %dma_wait3A_397 = tpu.memref_squeeze %dma_wait3A_396 : memref<1x50x32xf32, #tpu.memory_space<vmem>> -> memref<50x32xf32, #tpu.memory_space<vmem>>
      %dma_wait3A_398 = arith.constant 0 : i32
      %dma_wait3A_399 = tpu.memref_slice %arg6[%add3A_392, %dma_wait3A_398] : memref<512x50xi32, #tpu.memory_space<vmem>> -> memref<1x50xi32, #tpu.memory_space<vmem>>
      %dma_wait3A_400 = tpu.memref_squeeze %dma_wait3A_399 : memref<1x50xi32, #tpu.memory_space<vmem>> -> memref<50xi32, #tpu.memory_space<vmem>>
      %dma_wait3A_401 = arith.constant 0 : i32
      %dma_wait3A_402 = arith.constant 0 : i32
      %dma_wait3A_403 = tpu.memref_slice %arg3[%dma_wait3A_401, %dma_wait3A_402] : memref<1000000x32xf32, #tpu.memory_space<hbm>> -> memref<1000000x32xf32, #tpu.memory_space<hbm>>
      tpu.wait_indirect_dma semaphore(%arg9 : memref<!tpu.dma_semaphore, #tpu.memory_space<semaphore_mem>>) src(%dma_wait3A_403 : memref<1000000x32xf32, #tpu.memory_space<hbm>>) dst(%dma_wait3A_397 : memref<50x32xf32, #tpu.memory_space<vmem>>)
      %mul3A_404 = arith.constant 16 : i32
      %mul3A_405 = arith.muli %mul3A_219, %mul3A_404 : i32
      %add3A_406 = arith.constant 12 : i32
      %add3A_407 = arith.addi %mul3A_405, %add3A_406 : i32
      %dma_wait3A_408 = arith.constant 12 : i32
      %dma_wait3A_409 = arith.constant 0 : i32
      %dma_wait3A_410 = arith.constant 0 : i32
      %dma_wait3A_411 = tpu.memref_slice %arg7[%dma_wait3A_408, %dma_wait3A_409, %dma_wait3A_410] : memref<16x50x32xf32, #tpu.memory_space<vmem>> -> memref<1x50x32xf32, #tpu.memory_space<vmem>>
      %dma_wait3A_412 = tpu.memref_squeeze %dma_wait3A_411 : memref<1x50x32xf32, #tpu.memory_space<vmem>> -> memref<50x32xf32, #tpu.memory_space<vmem>>
      %dma_wait3A_413 = arith.constant 0 : i32
      %dma_wait3A_414 = tpu.memref_slice %arg6[%add3A_407, %dma_wait3A_413] : memref<512x50xi32, #tpu.memory_space<vmem>> -> memref<1x50xi32, #tpu.memory_space<vmem>>
      %dma_wait3A_415 = tpu.memref_squeeze %dma_wait3A_414 : memref<1x50xi32, #tpu.memory_space<vmem>> -> memref<50xi32, #tpu.memory_space<vmem>>
      %dma_wait3A_416 = arith.constant 0 : i32
      %dma_wait3A_417 = arith.constant 0 : i32
      %dma_wait3A_418 = tpu.memref_slice %arg3[%dma_wait3A_416, %dma_wait3A_417] : memref<1000000x32xf32, #tpu.memory_space<hbm>> -> memref<1000000x32xf32, #tpu.memory_space<hbm>>
      tpu.wait_indirect_dma semaphore(%arg9 : memref<!tpu.dma_semaphore, #tpu.memory_space<semaphore_mem>>) src(%dma_wait3A_418 : memref<1000000x32xf32, #tpu.memory_space<hbm>>) dst(%dma_wait3A_412 : memref<50x32xf32, #tpu.memory_space<vmem>>)
      %mul3A_419 = arith.constant 16 : i32
      %mul3A_420 = arith.muli %mul3A_219, %mul3A_419 : i32
      %add3A_421 = arith.constant 13 : i32
      %add3A_422 = arith.addi %mul3A_420, %add3A_421 : i32
      %dma_wait3A_423 = arith.constant 13 : i32
      %dma_wait3A_424 = arith.constant 0 : i32
      %dma_wait3A_425 = arith.constant 0 : i32
      %dma_wait3A_426 = tpu.memref_slice %arg7[%dma_wait3A_423, %dma_wait3A_424, %dma_wait3A_425] : memref<16x50x32xf32, #tpu.memory_space<vmem>> -> memref<1x50x32xf32, #tpu.memory_space<vmem>>
      %dma_wait3A_427 = tpu.memref_squeeze %dma_wait3A_426 : memref<1x50x32xf32, #tpu.memory_space<vmem>> -> memref<50x32xf32, #tpu.memory_space<vmem>>
      %dma_wait3A_428 = arith.constant 0 : i32
      %dma_wait3A_429 = tpu.memref_slice %arg6[%add3A_422, %dma_wait3A_428] : memref<512x50xi32, #tpu.memory_space<vmem>> -> memref<1x50xi32, #tpu.memory_space<vmem>>
      %dma_wait3A_430 = tpu.memref_squeeze %dma_wait3A_429 : memref<1x50xi32, #tpu.memory_space<vmem>> -> memref<50xi32, #tpu.memory_space<vmem>>
      %dma_wait3A_431 = arith.constant 0 : i32
      %dma_wait3A_432 = arith.constant 0 : i32
      %dma_wait3A_433 = tpu.memref_slice %arg3[%dma_wait3A_431, %dma_wait3A_432] : memref<1000000x32xf32, #tpu.memory_space<hbm>> -> memref<1000000x32xf32, #tpu.memory_space<hbm>>
      tpu.wait_indirect_dma semaphore(%arg9 : memref<!tpu.dma_semaphore, #tpu.memory_space<semaphore_mem>>) src(%dma_wait3A_433 : memref<1000000x32xf32, #tpu.memory_space<hbm>>) dst(%dma_wait3A_427 : memref<50x32xf32, #tpu.memory_space<vmem>>)
      %mul3A_434 = arith.constant 16 : i32
      %mul3A_435 = arith.muli %mul3A_219, %mul3A_434 : i32
      %add3A_436 = arith.constant 14 : i32
      %add3A_437 = arith.addi %mul3A_435, %add3A_436 : i32
      %dma_wait3A_438 = arith.constant 14 : i32
      %dma_wait3A_439 = arith.constant 0 : i32
      %dma_wait3A_440 = arith.constant 0 : i32
      %dma_wait3A_441 = tpu.memref_slice %arg7[%dma_wait3A_438, %dma_wait3A_439, %dma_wait3A_440] : memref<16x50x32xf32, #tpu.memory_space<vmem>> -> memref<1x50x32xf32, #tpu.memory_space<vmem>>
      %dma_wait3A_442 = tpu.memref_squeeze %dma_wait3A_441 : memref<1x50x32xf32, #tpu.memory_space<vmem>> -> memref<50x32xf32, #tpu.memory_space<vmem>>
      %dma_wait3A_443 = arith.constant 0 : i32
      %dma_wait3A_444 = tpu.memref_slice %arg6[%add3A_437, %dma_wait3A_443] : memref<512x50xi32, #tpu.memory_space<vmem>> -> memref<1x50xi32, #tpu.memory_space<vmem>>
      %dma_wait3A_445 = tpu.memref_squeeze %dma_wait3A_444 : memref<1x50xi32, #tpu.memory_space<vmem>> -> memref<50xi32, #tpu.memory_space<vmem>>
      %dma_wait3A_446 = arith.constant 0 : i32
      %dma_wait3A_447 = arith.constant 0 : i32
      %dma_wait3A_448 = tpu.memref_slice %arg3[%dma_wait3A_446, %dma_wait3A_447] : memref<1000000x32xf32, #tpu.memory_space<hbm>> -> memref<1000000x32xf32, #tpu.memory_space<hbm>>
      tpu.wait_indirect_dma semaphore(%arg9 : memref<!tpu.dma_semaphore, #tpu.memory_space<semaphore_mem>>) src(%dma_wait3A_448 : memref<1000000x32xf32, #tpu.memory_space<hbm>>) dst(%dma_wait3A_442 : memref<50x32xf32, #tpu.memory_space<vmem>>)
      %mul3A_449 = arith.constant 16 : i32
      %mul3A_450 = arith.muli %mul3A_219, %mul3A_449 : i32
      %add3A_451 = arith.constant 15 : i32
      %add3A_452 = arith.addi %mul3A_450, %add3A_451 : i32
      %dma_wait3A_453 = arith.constant 15 : i32
      %dma_wait3A_454 = arith.constant 0 : i32
      %dma_wait3A_455 = arith.constant 0 : i32
      %dma_wait3A_456 = tpu.memref_slice %arg7[%dma_wait3A_453, %dma_wait3A_454, %dma_wait3A_455] : memref<16x50x32xf32, #tpu.memory_space<vmem>> -> memref<1x50x32xf32, #tpu.memory_space<vmem>>
      %dma_wait3A_457 = tpu.memref_squeeze %dma_wait3A_456 : memref<1x50x32xf32, #tpu.memory_space<vmem>> -> memref<50x32xf32, #tpu.memory_space<vmem>>
      %dma_wait3A_458 = arith.constant 0 : i32
      %dma_wait3A_459 = tpu.memref_slice %arg6[%add3A_452, %dma_wait3A_458] : memref<512x50xi32, #tpu.memory_space<vmem>> -> memref<1x50xi32, #tpu.memory_space<vmem>>
      %dma_wait3A_460 = tpu.memref_squeeze %dma_wait3A_459 : memref<1x50xi32, #tpu.memory_space<vmem>> -> memref<50xi32, #tpu.memory_space<vmem>>
      %dma_wait3A_461 = arith.constant 0 : i32
      %dma_wait3A_462 = arith.constant 0 : i32
      %dma_wait3A_463 = tpu.memref_slice %arg3[%dma_wait3A_461, %dma_wait3A_462] : memref<1000000x32xf32, #tpu.memory_space<hbm>> -> memref<1000000x32xf32, #tpu.memory_space<hbm>>
      tpu.wait_indirect_dma semaphore(%arg9 : memref<!tpu.dma_semaphore, #tpu.memory_space<semaphore_mem>>) src(%dma_wait3A_463 : memref<1000000x32xf32, #tpu.memory_space<hbm>>) dst(%dma_wait3A_457 : memref<50x32xf32, #tpu.memory_space<vmem>>)
      %gt3A = arith.constant 0 : i32
      %gt3A_464 = arith.cmpi sgt, %scan3A_216, %gt3A : i32
      %convert_element_type3A = arith.extui %gt3A_464 : i1 to i32
      %cond3A = arith.constant 0 : i32
      %cond3A_465 = arith.cmpi ne, %convert_element_type3A, %cond3A : i32
      scf.if %cond3A_465 {
        %sub3A = arith.constant 2 : i32
        %sub3A_978 = arith.subi %add3A_223, %sub3A : i32
        %mul3A_979 = arith.constant 16 : i32
        %mul3A_980 = arith.muli %sub3A_978, %mul3A_979 : i32
        %add3A_981 = arith.addi %mul3A_2, %mul3A_980 : i32
        %dma_wait3A_982 = arith.constant 0 : i32
        %dma_wait3A_983 = arith.constant 0 : i32
        %dma_wait3A_984 = tpu.memref_slice %arg4[%add3A_981, %dma_wait3A_982, %dma_wait3A_983] : memref<16384x50x32xf32, #tpu.memory_space<hbm>> -> memref<16x50x32xf32, #tpu.memory_space<hbm>>
        %dma_wait3A_985 = arith.constant 0 : i32
        %dma_wait3A_986 = arith.constant 0 : i32
        %dma_wait3A_987 = tpu.memref_slice %arg4[%add3A_981, %dma_wait3A_985, %dma_wait3A_986] : memref<16384x50x32xf32, #tpu.memory_space<hbm>> -> memref<16x50x32xf32, #tpu.memory_space<hbm>>
        tpu.wait_dma2 semaphore(%arg11 : memref<!tpu.dma_semaphore, #tpu.memory_space<semaphore_mem>>) src(%arg8 : memref<16x50x32xf32, #tpu.memory_space<vmem>>) dst(%dma_wait3A_987 : memref<16x50x32xf32, #tpu.memory_space<hbm>>)
      } else {
      }
      %mul3A_466 = arith.constant 16 : i32
      %mul3A_467 = arith.muli %add3A_223, %mul3A_466 : i32
      %add3A_468 = arith.constant 0 : i32
      %add3A_469 = arith.addi %mul3A_467, %add3A_468 : i32
      %dma_start3A_470 = arith.constant 0 : i32
      %dma_start3A_471 = arith.constant 0 : i32
      %dma_start3A_472 = arith.constant 0 : i32
      %dma_start3A_473 = tpu.memref_slice %arg8[%dma_start3A_470, %dma_start3A_471, %dma_start3A_472] : memref<16x50x32xf32, #tpu.memory_space<vmem>> -> memref<1x50x32xf32, #tpu.memory_space<vmem>>
      %dma_start3A_474 = tpu.memref_squeeze %dma_start3A_473 : memref<1x50x32xf32, #tpu.memory_space<vmem>> -> memref<50x32xf32, #tpu.memory_space<vmem>>
      %dma_start3A_475 = arith.constant 0 : i32
      %dma_start3A_476 = tpu.memref_slice %arg6[%add3A_469, %dma_start3A_475] : memref<512x50xi32, #tpu.memory_space<vmem>> -> memref<1x50xi32, #tpu.memory_space<vmem>>
      %dma_start3A_477 = tpu.memref_squeeze %dma_start3A_476 : memref<1x50xi32, #tpu.memory_space<vmem>> -> memref<50xi32, #tpu.memory_space<vmem>>
      %dma_start3A_478 = arith.constant 0 : i32
      %dma_start3A_479 = arith.constant 0 : i32
      %dma_start3A_480 = tpu.memref_slice %arg3[%dma_start3A_478, %dma_start3A_479] : memref<1000000x32xf32, #tpu.memory_space<hbm>> -> memref<1000000x32xf32, #tpu.memory_space<hbm>>
      tpu.enqueue_indirect_dma source(%dma_start3A_480 : memref<1000000x32xf32, #tpu.memory_space<hbm>>) target(%dma_start3A_474 : memref<50x32xf32, #tpu.memory_space<vmem>>) offsets(%dma_start3A_477 : memref<50xi32, #tpu.memory_space<vmem>>) semaphore(%arg9 : memref<!tpu.dma_semaphore, #tpu.memory_space<semaphore_mem>>)
      %mul3A_481 = arith.constant 16 : i32
      %mul3A_482 = arith.muli %add3A_223, %mul3A_481 : i32
      %add3A_483 = arith.constant 1 : i32
      %add3A_484 = arith.addi %mul3A_482, %add3A_483 : i32
      %dma_start3A_485 = arith.constant 1 : i32
      %dma_start3A_486 = arith.constant 0 : i32
      %dma_start3A_487 = arith.constant 0 : i32
      %dma_start3A_488 = tpu.memref_slice %arg8[%dma_start3A_485, %dma_start3A_486, %dma_start3A_487] : memref<16x50x32xf32, #tpu.memory_space<vmem>> -> memref<1x50x32xf32, #tpu.memory_space<vmem>>
      %dma_start3A_489 = tpu.memref_squeeze %dma_start3A_488 : memref<1x50x32xf32, #tpu.memory_space<vmem>> -> memref<50x32xf32, #tpu.memory_space<vmem>>
      %dma_start3A_490 = arith.constant 0 : i32
      %dma_start3A_491 = tpu.memref_slice %arg6[%add3A_484, %dma_start3A_490] : memref<512x50xi32, #tpu.memory_space<vmem>> -> memref<1x50xi32, #tpu.memory_space<vmem>>
      %dma_start3A_492 = tpu.memref_squeeze %dma_start3A_491 : memref<1x50xi32, #tpu.memory_space<vmem>> -> memref<50xi32, #tpu.memory_space<vmem>>
      %dma_start3A_493 = arith.constant 0 : i32
      %dma_start3A_494 = arith.constant 0 : i32
      %dma_start3A_495 = tpu.memref_slice %arg3[%dma_start3A_493, %dma_start3A_494] : memref<1000000x32xf32, #tpu.memory_space<hbm>> -> memref<1000000x32xf32, #tpu.memory_space<hbm>>
      tpu.enqueue_indirect_dma source(%dma_start3A_495 : memref<1000000x32xf32, #tpu.memory_space<hbm>>) target(%dma_start3A_489 : memref<50x32xf32, #tpu.memory_space<vmem>>) offsets(%dma_start3A_492 : memref<50xi32, #tpu.memory_space<vmem>>) semaphore(%arg9 : memref<!tpu.dma_semaphore, #tpu.memory_space<semaphore_mem>>)
      %mul3A_496 = arith.constant 16 : i32
      %mul3A_497 = arith.muli %add3A_223, %mul3A_496 : i32
      %add3A_498 = arith.constant 2 : i32
      %add3A_499 = arith.addi %mul3A_497, %add3A_498 : i32
      %dma_start3A_500 = arith.constant 2 : i32
      %dma_start3A_501 = arith.constant 0 : i32
      %dma_start3A_502 = arith.constant 0 : i32
      %dma_start3A_503 = tpu.memref_slice %arg8[%dma_start3A_500, %dma_start3A_501, %dma_start3A_502] : memref<16x50x32xf32, #tpu.memory_space<vmem>> -> memref<1x50x32xf32, #tpu.memory_space<vmem>>
      %dma_start3A_504 = tpu.memref_squeeze %dma_start3A_503 : memref<1x50x32xf32, #tpu.memory_space<vmem>> -> memref<50x32xf32, #tpu.memory_space<vmem>>
      %dma_start3A_505 = arith.constant 0 : i32
      %dma_start3A_506 = tpu.memref_slice %arg6[%add3A_499, %dma_start3A_505] : memref<512x50xi32, #tpu.memory_space<vmem>> -> memref<1x50xi32, #tpu.memory_space<vmem>>
      %dma_start3A_507 = tpu.memref_squeeze %dma_start3A_506 : memref<1x50xi32, #tpu.memory_space<vmem>> -> memref<50xi32, #tpu.memory_space<vmem>>
      %dma_start3A_508 = arith.constant 0 : i32
      %dma_start3A_509 = arith.constant 0 : i32
      %dma_start3A_510 = tpu.memref_slice %arg3[%dma_start3A_508, %dma_start3A_509] : memref<1000000x32xf32, #tpu.memory_space<hbm>> -> memref<1000000x32xf32, #tpu.memory_space<hbm>>
      tpu.enqueue_indirect_dma source(%dma_start3A_510 : memref<1000000x32xf32, #tpu.memory_space<hbm>>) target(%dma_start3A_504 : memref<50x32xf32, #tpu.memory_space<vmem>>) offsets(%dma_start3A_507 : memref<50xi32, #tpu.memory_space<vmem>>) semaphore(%arg9 : memref<!tpu.dma_semaphore, #tpu.memory_space<semaphore_mem>>)
      %mul3A_511 = arith.constant 16 : i32
      %mul3A_512 = arith.muli %add3A_223, %mul3A_511 : i32
      %add3A_513 = arith.constant 3 : i32
      %add3A_514 = arith.addi %mul3A_512, %add3A_513 : i32
      %dma_start3A_515 = arith.constant 3 : i32
      %dma_start3A_516 = arith.constant 0 : i32
      %dma_start3A_517 = arith.constant 0 : i32
      %dma_start3A_518 = tpu.memref_slice %arg8[%dma_start3A_515, %dma_start3A_516, %dma_start3A_517] : memref<16x50x32xf32, #tpu.memory_space<vmem>> -> memref<1x50x32xf32, #tpu.memory_space<vmem>>
      %dma_start3A_519 = tpu.memref_squeeze %dma_start3A_518 : memref<1x50x32xf32, #tpu.memory_space<vmem>> -> memref<50x32xf32, #tpu.memory_space<vmem>>
      %dma_start3A_520 = arith.constant 0 : i32
      %dma_start3A_521 = tpu.memref_slice %arg6[%add3A_514, %dma_start3A_520] : memref<512x50xi32, #tpu.memory_space<vmem>> -> memref<1x50xi32, #tpu.memory_space<vmem>>
      %dma_start3A_522 = tpu.memref_squeeze %dma_start3A_521 : memref<1x50xi32, #tpu.memory_space<vmem>> -> memref<50xi32, #tpu.memory_space<vmem>>
      %dma_start3A_523 = arith.constant 0 : i32
      %dma_start3A_524 = arith.constant 0 : i32
      %dma_start3A_525 = tpu.memref_slice %arg3[%dma_start3A_523, %dma_start3A_524] : memref<1000000x32xf32, #tpu.memory_space<hbm>> -> memref<1000000x32xf32, #tpu.memory_space<hbm>>
      tpu.enqueue_indirect_dma source(%dma_start3A_525 : memref<1000000x32xf32, #tpu.memory_space<hbm>>) target(%dma_start3A_519 : memref<50x32xf32, #tpu.memory_space<vmem>>) offsets(%dma_start3A_522 : memref<50xi32, #tpu.memory_space<vmem>>) semaphore(%arg9 : memref<!tpu.dma_semaphore, #tpu.memory_space<semaphore_mem>>)
      %mul3A_526 = arith.constant 16 : i32
      %mul3A_527 = arith.muli %add3A_223, %mul3A_526 : i32
      %add3A_528 = arith.constant 4 : i32
      %add3A_529 = arith.addi %mul3A_527, %add3A_528 : i32
      %dma_start3A_530 = arith.constant 4 : i32
      %dma_start3A_531 = arith.constant 0 : i32
      %dma_start3A_532 = arith.constant 0 : i32
      %dma_start3A_533 = tpu.memref_slice %arg8[%dma_start3A_530, %dma_start3A_531, %dma_start3A_532] : memref<16x50x32xf32, #tpu.memory_space<vmem>> -> memref<1x50x32xf32, #tpu.memory_space<vmem>>
      %dma_start3A_534 = tpu.memref_squeeze %dma_start3A_533 : memref<1x50x32xf32, #tpu.memory_space<vmem>> -> memref<50x32xf32, #tpu.memory_space<vmem>>
      %dma_start3A_535 = arith.constant 0 : i32
      %dma_start3A_536 = tpu.memref_slice %arg6[%add3A_529, %dma_start3A_535] : memref<512x50xi32, #tpu.memory_space<vmem>> -> memref<1x50xi32, #tpu.memory_space<vmem>>
      %dma_start3A_537 = tpu.memref_squeeze %dma_start3A_536 : memref<1x50xi32, #tpu.memory_space<vmem>> -> memref<50xi32, #tpu.memory_space<vmem>>
      %dma_start3A_538 = arith.constant 0 : i32
      %dma_start3A_539 = arith.constant 0 : i32
      %dma_start3A_540 = tpu.memref_slice %arg3[%dma_start3A_538, %dma_start3A_539] : memref<1000000x32xf32, #tpu.memory_space<hbm>> -> memref<1000000x32xf32, #tpu.memory_space<hbm>>
      tpu.enqueue_indirect_dma source(%dma_start3A_540 : memref<1000000x32xf32, #tpu.memory_space<hbm>>) target(%dma_start3A_534 : memref<50x32xf32, #tpu.memory_space<vmem>>) offsets(%dma_start3A_537 : memref<50xi32, #tpu.memory_space<vmem>>) semaphore(%arg9 : memref<!tpu.dma_semaphore, #tpu.memory_space<semaphore_mem>>)
      %mul3A_541 = arith.constant 16 : i32
      %mul3A_542 = arith.muli %add3A_223, %mul3A_541 : i32
      %add3A_543 = arith.constant 5 : i32
      %add3A_544 = arith.addi %mul3A_542, %add3A_543 : i32
      %dma_start3A_545 = arith.constant 5 : i32
      %dma_start3A_546 = arith.constant 0 : i32
      %dma_start3A_547 = arith.constant 0 : i32
      %dma_start3A_548 = tpu.memref_slice %arg8[%dma_start3A_545, %dma_start3A_546, %dma_start3A_547] : memref<16x50x32xf32, #tpu.memory_space<vmem>> -> memref<1x50x32xf32, #tpu.memory_space<vmem>>
      %dma_start3A_549 = tpu.memref_squeeze %dma_start3A_548 : memref<1x50x32xf32, #tpu.memory_space<vmem>> -> memref<50x32xf32, #tpu.memory_space<vmem>>
      %dma_start3A_550 = arith.constant 0 : i32
      %dma_start3A_551 = tpu.memref_slice %arg6[%add3A_544, %dma_start3A_550] : memref<512x50xi32, #tpu.memory_space<vmem>> -> memref<1x50xi32, #tpu.memory_space<vmem>>
      %dma_start3A_552 = tpu.memref_squeeze %dma_start3A_551 : memref<1x50xi32, #tpu.memory_space<vmem>> -> memref<50xi32, #tpu.memory_space<vmem>>
      %dma_start3A_553 = arith.constant 0 : i32
      %dma_start3A_554 = arith.constant 0 : i32
      %dma_start3A_555 = tpu.memref_slice %arg3[%dma_start3A_553, %dma_start3A_554] : memref<1000000x32xf32, #tpu.memory_space<hbm>> -> memref<1000000x32xf32, #tpu.memory_space<hbm>>
      tpu.enqueue_indirect_dma source(%dma_start3A_555 : memref<1000000x32xf32, #tpu.memory_space<hbm>>) target(%dma_start3A_549 : memref<50x32xf32, #tpu.memory_space<vmem>>) offsets(%dma_start3A_552 : memref<50xi32, #tpu.memory_space<vmem>>) semaphore(%arg9 : memref<!tpu.dma_semaphore, #tpu.memory_space<semaphore_mem>>)
      %mul3A_556 = arith.constant 16 : i32
      %mul3A_557 = arith.muli %add3A_223, %mul3A_556 : i32
      %add3A_558 = arith.constant 6 : i32
      %add3A_559 = arith.addi %mul3A_557, %add3A_558 : i32
      %dma_start3A_560 = arith.constant 6 : i32
      %dma_start3A_561 = arith.constant 0 : i32
      %dma_start3A_562 = arith.constant 0 : i32
      %dma_start3A_563 = tpu.memref_slice %arg8[%dma_start3A_560, %dma_start3A_561, %dma_start3A_562] : memref<16x50x32xf32, #tpu.memory_space<vmem>> -> memref<1x50x32xf32, #tpu.memory_space<vmem>>
      %dma_start3A_564 = tpu.memref_squeeze %dma_start3A_563 : memref<1x50x32xf32, #tpu.memory_space<vmem>> -> memref<50x32xf32, #tpu.memory_space<vmem>>
      %dma_start3A_565 = arith.constant 0 : i32
      %dma_start3A_566 = tpu.memref_slice %arg6[%add3A_559, %dma_start3A_565] : memref<512x50xi32, #tpu.memory_space<vmem>> -> memref<1x50xi32, #tpu.memory_space<vmem>>
      %dma_start3A_567 = tpu.memref_squeeze %dma_start3A_566 : memref<1x50xi32, #tpu.memory_space<vmem>> -> memref<50xi32, #tpu.memory_space<vmem>>
      %dma_start3A_568 = arith.constant 0 : i32
      %dma_start3A_569 = arith.constant 0 : i32
      %dma_start3A_570 = tpu.memref_slice %arg3[%dma_start3A_568, %dma_start3A_569] : memref<1000000x32xf32, #tpu.memory_space<hbm>> -> memref<1000000x32xf32, #tpu.memory_space<hbm>>
      tpu.enqueue_indirect_dma source(%dma_start3A_570 : memref<1000000x32xf32, #tpu.memory_space<hbm>>) target(%dma_start3A_564 : memref<50x32xf32, #tpu.memory_space<vmem>>) offsets(%dma_start3A_567 : memref<50xi32, #tpu.memory_space<vmem>>) semaphore(%arg9 : memref<!tpu.dma_semaphore, #tpu.memory_space<semaphore_mem>>)
      %mul3A_571 = arith.constant 16 : i32
      %mul3A_572 = arith.muli %add3A_223, %mul3A_571 : i32
      %add3A_573 = arith.constant 7 : i32
      %add3A_574 = arith.addi %mul3A_572, %add3A_573 : i32
      %dma_start3A_575 = arith.constant 7 : i32
      %dma_start3A_576 = arith.constant 0 : i32
      %dma_start3A_577 = arith.constant 0 : i32
      %dma_start3A_578 = tpu.memref_slice %arg8[%dma_start3A_575, %dma_start3A_576, %dma_start3A_577] : memref<16x50x32xf32, #tpu.memory_space<vmem>> -> memref<1x50x32xf32, #tpu.memory_space<vmem>>
      %dma_start3A_579 = tpu.memref_squeeze %dma_start3A_578 : memref<1x50x32xf32, #tpu.memory_space<vmem>> -> memref<50x32xf32, #tpu.memory_space<vmem>>
      %dma_start3A_580 = arith.constant 0 : i32
      %dma_start3A_581 = tpu.memref_slice %arg6[%add3A_574, %dma_start3A_580] : memref<512x50xi32, #tpu.memory_space<vmem>> -> memref<1x50xi32, #tpu.memory_space<vmem>>
      %dma_start3A_582 = tpu.memref_squeeze %dma_start3A_581 : memref<1x50xi32, #tpu.memory_space<vmem>> -> memref<50xi32, #tpu.memory_space<vmem>>
      %dma_start3A_583 = arith.constant 0 : i32
      %dma_start3A_584 = arith.constant 0 : i32
      %dma_start3A_585 = tpu.memref_slice %arg3[%dma_start3A_583, %dma_start3A_584] : memref<1000000x32xf32, #tpu.memory_space<hbm>> -> memref<1000000x32xf32, #tpu.memory_space<hbm>>
      tpu.enqueue_indirect_dma source(%dma_start3A_585 : memref<1000000x32xf32, #tpu.memory_space<hbm>>) target(%dma_start3A_579 : memref<50x32xf32, #tpu.memory_space<vmem>>) offsets(%dma_start3A_582 : memref<50xi32, #tpu.memory_space<vmem>>) semaphore(%arg9 : memref<!tpu.dma_semaphore, #tpu.memory_space<semaphore_mem>>)
      %mul3A_586 = arith.constant 16 : i32
      %mul3A_587 = arith.muli %add3A_223, %mul3A_586 : i32
      %add3A_588 = arith.constant 8 : i32
      %add3A_589 = arith.addi %mul3A_587, %add3A_588 : i32
      %dma_start3A_590 = arith.constant 8 : i32
      %dma_start3A_591 = arith.constant 0 : i32
      %dma_start3A_592 = arith.constant 0 : i32
      %dma_start3A_593 = tpu.memref_slice %arg8[%dma_start3A_590, %dma_start3A_591, %dma_start3A_592] : memref<16x50x32xf32, #tpu.memory_space<vmem>> -> memref<1x50x32xf32, #tpu.memory_space<vmem>>
      %dma_start3A_594 = tpu.memref_squeeze %dma_start3A_593 : memref<1x50x32xf32, #tpu.memory_space<vmem>> -> memref<50x32xf32, #tpu.memory_space<vmem>>
      %dma_start3A_595 = arith.constant 0 : i32
      %dma_start3A_596 = tpu.memref_slice %arg6[%add3A_589, %dma_start3A_595] : memref<512x50xi32, #tpu.memory_space<vmem>> -> memref<1x50xi32, #tpu.memory_space<vmem>>
      %dma_start3A_597 = tpu.memref_squeeze %dma_start3A_596 : memref<1x50xi32, #tpu.memory_space<vmem>> -> memref<50xi32, #tpu.memory_space<vmem>>
      %dma_start3A_598 = arith.constant 0 : i32
      %dma_start3A_599 = arith.constant 0 : i32
      %dma_start3A_600 = tpu.memref_slice %arg3[%dma_start3A_598, %dma_start3A_599] : memref<1000000x32xf32, #tpu.memory_space<hbm>> -> memref<1000000x32xf32, #tpu.memory_space<hbm>>
      tpu.enqueue_indirect_dma source(%dma_start3A_600 : memref<1000000x32xf32, #tpu.memory_space<hbm>>) target(%dma_start3A_594 : memref<50x32xf32, #tpu.memory_space<vmem>>) offsets(%dma_start3A_597 : memref<50xi32, #tpu.memory_space<vmem>>) semaphore(%arg9 : memref<!tpu.dma_semaphore, #tpu.memory_space<semaphore_mem>>)
      %mul3A_601 = arith.constant 16 : i32
      %mul3A_602 = arith.muli %add3A_223, %mul3A_601 : i32
      %add3A_603 = arith.constant 9 : i32
      %add3A_604 = arith.addi %mul3A_602, %add3A_603 : i32
      %dma_start3A_605 = arith.constant 9 : i32
      %dma_start3A_606 = arith.constant 0 : i32
      %dma_start3A_607 = arith.constant 0 : i32
      %dma_start3A_608 = tpu.memref_slice %arg8[%dma_start3A_605, %dma_start3A_606, %dma_start3A_607] : memref<16x50x32xf32, #tpu.memory_space<vmem>> -> memref<1x50x32xf32, #tpu.memory_space<vmem>>
      %dma_start3A_609 = tpu.memref_squeeze %dma_start3A_608 : memref<1x50x32xf32, #tpu.memory_space<vmem>> -> memref<50x32xf32, #tpu.memory_space<vmem>>
      %dma_start3A_610 = arith.constant 0 : i32
      %dma_start3A_611 = tpu.memref_slice %arg6[%add3A_604, %dma_start3A_610] : memref<512x50xi32, #tpu.memory_space<vmem>> -> memref<1x50xi32, #tpu.memory_space<vmem>>
      %dma_start3A_612 = tpu.memref_squeeze %dma_start3A_611 : memref<1x50xi32, #tpu.memory_space<vmem>> -> memref<50xi32, #tpu.memory_space<vmem>>
      %dma_start3A_613 = arith.constant 0 : i32
      %dma_start3A_614 = arith.constant 0 : i32
      %dma_start3A_615 = tpu.memref_slice %arg3[%dma_start3A_613, %dma_start3A_614] : memref<1000000x32xf32, #tpu.memory_space<hbm>> -> memref<1000000x32xf32, #tpu.memory_space<hbm>>
      tpu.enqueue_indirect_dma source(%dma_start3A_615 : memref<1000000x32xf32, #tpu.memory_space<hbm>>) target(%dma_start3A_609 : memref<50x32xf32, #tpu.memory_space<vmem>>) offsets(%dma_start3A_612 : memref<50xi32, #tpu.memory_space<vmem>>) semaphore(%arg9 : memref<!tpu.dma_semaphore, #tpu.memory_space<semaphore_mem>>)
      %mul3A_616 = arith.constant 16 : i32
      %mul3A_617 = arith.muli %add3A_223, %mul3A_616 : i32
      %add3A_618 = arith.constant 10 : i32
      %add3A_619 = arith.addi %mul3A_617, %add3A_618 : i32
      %dma_start3A_620 = arith.constant 10 : i32
      %dma_start3A_621 = arith.constant 0 : i32
      %dma_start3A_622 = arith.constant 0 : i32
      %dma_start3A_623 = tpu.memref_slice %arg8[%dma_start3A_620, %dma_start3A_621, %dma_start3A_622] : memref<16x50x32xf32, #tpu.memory_space<vmem>> -> memref<1x50x32xf32, #tpu.memory_space<vmem>>
      %dma_start3A_624 = tpu.memref_squeeze %dma_start3A_623 : memref<1x50x32xf32, #tpu.memory_space<vmem>> -> memref<50x32xf32, #tpu.memory_space<vmem>>
      %dma_start3A_625 = arith.constant 0 : i32
      %dma_start3A_626 = tpu.memref_slice %arg6[%add3A_619, %dma_start3A_625] : memref<512x50xi32, #tpu.memory_space<vmem>> -> memref<1x50xi32, #tpu.memory_space<vmem>>
      %dma_start3A_627 = tpu.memref_squeeze %dma_start3A_626 : memref<1x50xi32, #tpu.memory_space<vmem>> -> memref<50xi32, #tpu.memory_space<vmem>>
      %dma_start3A_628 = arith.constant 0 : i32
      %dma_start3A_629 = arith.constant 0 : i32
      %dma_start3A_630 = tpu.memref_slice %arg3[%dma_start3A_628, %dma_start3A_629] : memref<1000000x32xf32, #tpu.memory_space<hbm>> -> memref<1000000x32xf32, #tpu.memory_space<hbm>>
      tpu.enqueue_indirect_dma source(%dma_start3A_630 : memref<1000000x32xf32, #tpu.memory_space<hbm>>) target(%dma_start3A_624 : memref<50x32xf32, #tpu.memory_space<vmem>>) offsets(%dma_start3A_627 : memref<50xi32, #tpu.memory_space<vmem>>) semaphore(%arg9 : memref<!tpu.dma_semaphore, #tpu.memory_space<semaphore_mem>>)
      %mul3A_631 = arith.constant 16 : i32
      %mul3A_632 = arith.muli %add3A_223, %mul3A_631 : i32
      %add3A_633 = arith.constant 11 : i32
      %add3A_634 = arith.addi %mul3A_632, %add3A_633 : i32
      %dma_start3A_635 = arith.constant 11 : i32
      %dma_start3A_636 = arith.constant 0 : i32
      %dma_start3A_637 = arith.constant 0 : i32
      %dma_start3A_638 = tpu.memref_slice %arg8[%dma_start3A_635, %dma_start3A_636, %dma_start3A_637] : memref<16x50x32xf32, #tpu.memory_space<vmem>> -> memref<1x50x32xf32, #tpu.memory_space<vmem>>
      %dma_start3A_639 = tpu.memref_squeeze %dma_start3A_638 : memref<1x50x32xf32, #tpu.memory_space<vmem>> -> memref<50x32xf32, #tpu.memory_space<vmem>>
      %dma_start3A_640 = arith.constant 0 : i32
      %dma_start3A_641 = tpu.memref_slice %arg6[%add3A_634, %dma_start3A_640] : memref<512x50xi32, #tpu.memory_space<vmem>> -> memref<1x50xi32, #tpu.memory_space<vmem>>
      %dma_start3A_642 = tpu.memref_squeeze %dma_start3A_641 : memref<1x50xi32, #tpu.memory_space<vmem>> -> memref<50xi32, #tpu.memory_space<vmem>>
      %dma_start3A_643 = arith.constant 0 : i32
      %dma_start3A_644 = arith.constant 0 : i32
      %dma_start3A_645 = tpu.memref_slice %arg3[%dma_start3A_643, %dma_start3A_644] : memref<1000000x32xf32, #tpu.memory_space<hbm>> -> memref<1000000x32xf32, #tpu.memory_space<hbm>>
      tpu.enqueue_indirect_dma source(%dma_start3A_645 : memref<1000000x32xf32, #tpu.memory_space<hbm>>) target(%dma_start3A_639 : memref<50x32xf32, #tpu.memory_space<vmem>>) offsets(%dma_start3A_642 : memref<50xi32, #tpu.memory_space<vmem>>) semaphore(%arg9 : memref<!tpu.dma_semaphore, #tpu.memory_space<semaphore_mem>>)
      %mul3A_646 = arith.constant 16 : i32
      %mul3A_647 = arith.muli %add3A_223, %mul3A_646 : i32
      %add3A_648 = arith.constant 12 : i32
      %add3A_649 = arith.addi %mul3A_647, %add3A_648 : i32
      %dma_start3A_650 = arith.constant 12 : i32
      %dma_start3A_651 = arith.constant 0 : i32
      %dma_start3A_652 = arith.constant 0 : i32
      %dma_start3A_653 = tpu.memref_slice %arg8[%dma_start3A_650, %dma_start3A_651, %dma_start3A_652] : memref<16x50x32xf32, #tpu.memory_space<vmem>> -> memref<1x50x32xf32, #tpu.memory_space<vmem>>
      %dma_start3A_654 = tpu.memref_squeeze %dma_start3A_653 : memref<1x50x32xf32, #tpu.memory_space<vmem>> -> memref<50x32xf32, #tpu.memory_space<vmem>>
      %dma_start3A_655 = arith.constant 0 : i32
      %dma_start3A_656 = tpu.memref_slice %arg6[%add3A_649, %dma_start3A_655] : memref<512x50xi32, #tpu.memory_space<vmem>> -> memref<1x50xi32, #tpu.memory_space<vmem>>
      %dma_start3A_657 = tpu.memref_squeeze %dma_start3A_656 : memref<1x50xi32, #tpu.memory_space<vmem>> -> memref<50xi32, #tpu.memory_space<vmem>>
      %dma_start3A_658 = arith.constant 0 : i32
      %dma_start3A_659 = arith.constant 0 : i32
      %dma_start3A_660 = tpu.memref_slice %arg3[%dma_start3A_658, %dma_start3A_659] : memref<1000000x32xf32, #tpu.memory_space<hbm>> -> memref<1000000x32xf32, #tpu.memory_space<hbm>>
      tpu.enqueue_indirect_dma source(%dma_start3A_660 : memref<1000000x32xf32, #tpu.memory_space<hbm>>) target(%dma_start3A_654 : memref<50x32xf32, #tpu.memory_space<vmem>>) offsets(%dma_start3A_657 : memref<50xi32, #tpu.memory_space<vmem>>) semaphore(%arg9 : memref<!tpu.dma_semaphore, #tpu.memory_space<semaphore_mem>>)
      %mul3A_661 = arith.constant 16 : i32
      %mul3A_662 = arith.muli %add3A_223, %mul3A_661 : i32
      %add3A_663 = arith.constant 13 : i32
      %add3A_664 = arith.addi %mul3A_662, %add3A_663 : i32
      %dma_start3A_665 = arith.constant 13 : i32
      %dma_start3A_666 = arith.constant 0 : i32
      %dma_start3A_667 = arith.constant 0 : i32
      %dma_start3A_668 = tpu.memref_slice %arg8[%dma_start3A_665, %dma_start3A_666, %dma_start3A_667] : memref<16x50x32xf32, #tpu.memory_space<vmem>> -> memref<1x50x32xf32, #tpu.memory_space<vmem>>
      %dma_start3A_669 = tpu.memref_squeeze %dma_start3A_668 : memref<1x50x32xf32, #tpu.memory_space<vmem>> -> memref<50x32xf32, #tpu.memory_space<vmem>>
      %dma_start3A_670 = arith.constant 0 : i32
      %dma_start3A_671 = tpu.memref_slice %arg6[%add3A_664, %dma_start3A_670] : memref<512x50xi32, #tpu.memory_space<vmem>> -> memref<1x50xi32, #tpu.memory_space<vmem>>
      %dma_start3A_672 = tpu.memref_squeeze %dma_start3A_671 : memref<1x50xi32, #tpu.memory_space<vmem>> -> memref<50xi32, #tpu.memory_space<vmem>>
      %dma_start3A_673 = arith.constant 0 : i32
      %dma_start3A_674 = arith.constant 0 : i32
      %dma_start3A_675 = tpu.memref_slice %arg3[%dma_start3A_673, %dma_start3A_674] : memref<1000000x32xf32, #tpu.memory_space<hbm>> -> memref<1000000x32xf32, #tpu.memory_space<hbm>>
      tpu.enqueue_indirect_dma source(%dma_start3A_675 : memref<1000000x32xf32, #tpu.memory_space<hbm>>) target(%dma_start3A_669 : memref<50x32xf32, #tpu.memory_space<vmem>>) offsets(%dma_start3A_672 : memref<50xi32, #tpu.memory_space<vmem>>) semaphore(%arg9 : memref<!tpu.dma_semaphore, #tpu.memory_space<semaphore_mem>>)
      %mul3A_676 = arith.constant 16 : i32
      %mul3A_677 = arith.muli %add3A_223, %mul3A_676 : i32
      %add3A_678 = arith.constant 14 : i32
      %add3A_679 = arith.addi %mul3A_677, %add3A_678 : i32
      %dma_start3A_680 = arith.constant 14 : i32
      %dma_start3A_681 = arith.constant 0 : i32
      %dma_start3A_682 = arith.constant 0 : i32
      %dma_start3A_683 = tpu.memref_slice %arg8[%dma_start3A_680, %dma_start3A_681, %dma_start3A_682] : memref<16x50x32xf32, #tpu.memory_space<vmem>> -> memref<1x50x32xf32, #tpu.memory_space<vmem>>
      %dma_start3A_684 = tpu.memref_squeeze %dma_start3A_683 : memref<1x50x32xf32, #tpu.memory_space<vmem>> -> memref<50x32xf32, #tpu.memory_space<vmem>>
      %dma_start3A_685 = arith.constant 0 : i32
      %dma_start3A_686 = tpu.memref_slice %arg6[%add3A_679, %dma_start3A_685] : memref<512x50xi32, #tpu.memory_space<vmem>> -> memref<1x50xi32, #tpu.memory_space<vmem>>
      %dma_start3A_687 = tpu.memref_squeeze %dma_start3A_686 : memref<1x50xi32, #tpu.memory_space<vmem>> -> memref<50xi32, #tpu.memory_space<vmem>>
      %dma_start3A_688 = arith.constant 0 : i32
      %dma_start3A_689 = arith.constant 0 : i32
      %dma_start3A_690 = tpu.memref_slice %arg3[%dma_start3A_688, %dma_start3A_689] : memref<1000000x32xf32, #tpu.memory_space<hbm>> -> memref<1000000x32xf32, #tpu.memory_space<hbm>>
      tpu.enqueue_indirect_dma source(%dma_start3A_690 : memref<1000000x32xf32, #tpu.memory_space<hbm>>) target(%dma_start3A_684 : memref<50x32xf32, #tpu.memory_space<vmem>>) offsets(%dma_start3A_687 : memref<50xi32, #tpu.memory_space<vmem>>) semaphore(%arg9 : memref<!tpu.dma_semaphore, #tpu.memory_space<semaphore_mem>>)
      %mul3A_691 = arith.constant 16 : i32
      %mul3A_692 = arith.muli %add3A_223, %mul3A_691 : i32
      %add3A_693 = arith.constant 15 : i32
      %add3A_694 = arith.addi %mul3A_692, %add3A_693 : i32
      %dma_start3A_695 = arith.constant 15 : i32
      %dma_start3A_696 = arith.constant 0 : i32
      %dma_start3A_697 = arith.constant 0 : i32
      %dma_start3A_698 = tpu.memref_slice %arg8[%dma_start3A_695, %dma_start3A_696, %dma_start3A_697] : memref<16x50x32xf32, #tpu.memory_space<vmem>> -> memref<1x50x32xf32, #tpu.memory_space<vmem>>
      %dma_start3A_699 = tpu.memref_squeeze %dma_start3A_698 : memref<1x50x32xf32, #tpu.memory_space<vmem>> -> memref<50x32xf32, #tpu.memory_space<vmem>>
      %dma_start3A_700 = arith.constant 0 : i32
      %dma_start3A_701 = tpu.memref_slice %arg6[%add3A_694, %dma_start3A_700] : memref<512x50xi32, #tpu.memory_space<vmem>> -> memref<1x50xi32, #tpu.memory_space<vmem>>
      %dma_start3A_702 = tpu.memref_squeeze %dma_start3A_701 : memref<1x50xi32, #tpu.memory_space<vmem>> -> memref<50xi32, #tpu.memory_space<vmem>>
      %dma_start3A_703 = arith.constant 0 : i32
      %dma_start3A_704 = arith.constant 0 : i32
      %dma_start3A_705 = tpu.memref_slice %arg3[%dma_start3A_703, %dma_start3A_704] : memref<1000000x32xf32, #tpu.memory_space<hbm>> -> memref<1000000x32xf32, #tpu.memory_space<hbm>>
      tpu.enqueue_indirect_dma source(%dma_start3A_705 : memref<1000000x32xf32, #tpu.memory_space<hbm>>) target(%dma_start3A_699 : memref<50x32xf32, #tpu.memory_space<vmem>>) offsets(%dma_start3A_702 : memref<50xi32, #tpu.memory_space<vmem>>) semaphore(%arg9 : memref<!tpu.dma_semaphore, #tpu.memory_space<semaphore_mem>>)
      %mul3A_706 = arith.constant 16 : i32
      %mul3A_707 = arith.muli %mul3A_219, %mul3A_706 : i32
      %add3A_708 = arith.addi %mul3A_2, %mul3A_707 : i32
      %dma_start3A_709 = arith.constant 0 : i32
      %dma_start3A_710 = arith.constant 0 : i32
      %dma_start3A_711 = tpu.memref_slice %arg4[%add3A_708, %dma_start3A_709, %dma_start3A_710] : memref<16384x50x32xf32, #tpu.memory_space<hbm>> -> memref<16x50x32xf32, #tpu.memory_space<hbm>>
      %dma_start3A_712 = arith.constant 0 : i32
      %dma_start3A_713 = arith.constant 0 : i32
      %dma_start3A_714 = tpu.memref_slice %arg4[%add3A_708, %dma_start3A_712, %dma_start3A_713] : memref<16384x50x32xf32, #tpu.memory_space<hbm>> -> memref<16x50x32xf32, #tpu.memory_space<hbm>>
      tpu.enqueue_dma source(%arg7 : memref<16x50x32xf32, #tpu.memory_space<vmem>>) target(%dma_start3A_714 : memref<16x50x32xf32, #tpu.memory_space<hbm>>) target_semaphore(%arg10 : memref<!tpu.dma_semaphore, #tpu.memory_space<semaphore_mem>>)
      %mul3A_715 = arith.constant 16 : i32
      %mul3A_716 = arith.muli %add3A_223, %mul3A_715 : i32
      %add3A_717 = arith.constant 0 : i32
      %add3A_718 = arith.addi %mul3A_716, %add3A_717 : i32
      %dma_wait3A_719 = arith.constant 0 : i32
      %dma_wait3A_720 = arith.constant 0 : i32
      %dma_wait3A_721 = arith.constant 0 : i32
      %dma_wait3A_722 = tpu.memref_slice %arg8[%dma_wait3A_719, %dma_wait3A_720, %dma_wait3A_721] : memref<16x50x32xf32, #tpu.memory_space<vmem>> -> memref<1x50x32xf32, #tpu.memory_space<vmem>>
      %dma_wait3A_723 = tpu.memref_squeeze %dma_wait3A_722 : memref<1x50x32xf32, #tpu.memory_space<vmem>> -> memref<50x32xf32, #tpu.memory_space<vmem>>
      %dma_wait3A_724 = arith.constant 0 : i32
      %dma_wait3A_725 = tpu.memref_slice %arg6[%add3A_718, %dma_wait3A_724] : memref<512x50xi32, #tpu.memory_space<vmem>> -> memref<1x50xi32, #tpu.memory_space<vmem>>
      %dma_wait3A_726 = tpu.memref_squeeze %dma_wait3A_725 : memref<1x50xi32, #tpu.memory_space<vmem>> -> memref<50xi32, #tpu.memory_space<vmem>>
      %dma_wait3A_727 = arith.constant 0 : i32
      %dma_wait3A_728 = arith.constant 0 : i32
      %dma_wait3A_729 = tpu.memref_slice %arg3[%dma_wait3A_727, %dma_wait3A_728] : memref<1000000x32xf32, #tpu.memory_space<hbm>> -> memref<1000000x32xf32, #tpu.memory_space<hbm>>
      tpu.wait_indirect_dma semaphore(%arg9 : memref<!tpu.dma_semaphore, #tpu.memory_space<semaphore_mem>>) src(%dma_wait3A_729 : memref<1000000x32xf32, #tpu.memory_space<hbm>>) dst(%dma_wait3A_723 : memref<50x32xf32, #tpu.memory_space<vmem>>)
      %mul3A_730 = arith.constant 16 : i32
      %mul3A_731 = arith.muli %add3A_223, %mul3A_730 : i32
      %add3A_732 = arith.constant 1 : i32
      %add3A_733 = arith.addi %mul3A_731, %add3A_732 : i32
      %dma_wait3A_734 = arith.constant 1 : i32
      %dma_wait3A_735 = arith.constant 0 : i32
      %dma_wait3A_736 = arith.constant 0 : i32
      %dma_wait3A_737 = tpu.memref_slice %arg8[%dma_wait3A_734, %dma_wait3A_735, %dma_wait3A_736] : memref<16x50x32xf32, #tpu.memory_space<vmem>> -> memref<1x50x32xf32, #tpu.memory_space<vmem>>
      %dma_wait3A_738 = tpu.memref_squeeze %dma_wait3A_737 : memref<1x50x32xf32, #tpu.memory_space<vmem>> -> memref<50x32xf32, #tpu.memory_space<vmem>>
      %dma_wait3A_739 = arith.constant 0 : i32
      %dma_wait3A_740 = tpu.memref_slice %arg6[%add3A_733, %dma_wait3A_739] : memref<512x50xi32, #tpu.memory_space<vmem>> -> memref<1x50xi32, #tpu.memory_space<vmem>>
      %dma_wait3A_741 = tpu.memref_squeeze %dma_wait3A_740 : memref<1x50xi32, #tpu.memory_space<vmem>> -> memref<50xi32, #tpu.memory_space<vmem>>
      %dma_wait3A_742 = arith.constant 0 : i32
      %dma_wait3A_743 = arith.constant 0 : i32
      %dma_wait3A_744 = tpu.memref_slice %arg3[%dma_wait3A_742, %dma_wait3A_743] : memref<1000000x32xf32, #tpu.memory_space<hbm>> -> memref<1000000x32xf32, #tpu.memory_space<hbm>>
      tpu.wait_indirect_dma semaphore(%arg9 : memref<!tpu.dma_semaphore, #tpu.memory_space<semaphore_mem>>) src(%dma_wait3A_744 : memref<1000000x32xf32, #tpu.memory_space<hbm>>) dst(%dma_wait3A_738 : memref<50x32xf32, #tpu.memory_space<vmem>>)
      %mul3A_745 = arith.constant 16 : i32
      %mul3A_746 = arith.muli %add3A_223, %mul3A_745 : i32
      %add3A_747 = arith.constant 2 : i32
      %add3A_748 = arith.addi %mul3A_746, %add3A_747 : i32
      %dma_wait3A_749 = arith.constant 2 : i32
      %dma_wait3A_750 = arith.constant 0 : i32
      %dma_wait3A_751 = arith.constant 0 : i32
      %dma_wait3A_752 = tpu.memref_slice %arg8[%dma_wait3A_749, %dma_wait3A_750, %dma_wait3A_751] : memref<16x50x32xf32, #tpu.memory_space<vmem>> -> memref<1x50x32xf32, #tpu.memory_space<vmem>>
      %dma_wait3A_753 = tpu.memref_squeeze %dma_wait3A_752 : memref<1x50x32xf32, #tpu.memory_space<vmem>> -> memref<50x32xf32, #tpu.memory_space<vmem>>
      %dma_wait3A_754 = arith.constant 0 : i32
      %dma_wait3A_755 = tpu.memref_slice %arg6[%add3A_748, %dma_wait3A_754] : memref<512x50xi32, #tpu.memory_space<vmem>> -> memref<1x50xi32, #tpu.memory_space<vmem>>
      %dma_wait3A_756 = tpu.memref_squeeze %dma_wait3A_755 : memref<1x50xi32, #tpu.memory_space<vmem>> -> memref<50xi32, #tpu.memory_space<vmem>>
      %dma_wait3A_757 = arith.constant 0 : i32
      %dma_wait3A_758 = arith.constant 0 : i32
      %dma_wait3A_759 = tpu.memref_slice %arg3[%dma_wait3A_757, %dma_wait3A_758] : memref<1000000x32xf32, #tpu.memory_space<hbm>> -> memref<1000000x32xf32, #tpu.memory_space<hbm>>
      tpu.wait_indirect_dma semaphore(%arg9 : memref<!tpu.dma_semaphore, #tpu.memory_space<semaphore_mem>>) src(%dma_wait3A_759 : memref<1000000x32xf32, #tpu.memory_space<hbm>>) dst(%dma_wait3A_753 : memref<50x32xf32, #tpu.memory_space<vmem>>)
      %mul3A_760 = arith.constant 16 : i32
      %mul3A_761 = arith.muli %add3A_223, %mul3A_760 : i32
      %add3A_762 = arith.constant 3 : i32
      %add3A_763 = arith.addi %mul3A_761, %add3A_762 : i32
      %dma_wait3A_764 = arith.constant 3 : i32
      %dma_wait3A_765 = arith.constant 0 : i32
      %dma_wait3A_766 = arith.constant 0 : i32
      %dma_wait3A_767 = tpu.memref_slice %arg8[%dma_wait3A_764, %dma_wait3A_765, %dma_wait3A_766] : memref<16x50x32xf32, #tpu.memory_space<vmem>> -> memref<1x50x32xf32, #tpu.memory_space<vmem>>
      %dma_wait3A_768 = tpu.memref_squeeze %dma_wait3A_767 : memref<1x50x32xf32, #tpu.memory_space<vmem>> -> memref<50x32xf32, #tpu.memory_space<vmem>>
      %dma_wait3A_769 = arith.constant 0 : i32
      %dma_wait3A_770 = tpu.memref_slice %arg6[%add3A_763, %dma_wait3A_769] : memref<512x50xi32, #tpu.memory_space<vmem>> -> memref<1x50xi32, #tpu.memory_space<vmem>>
      %dma_wait3A_771 = tpu.memref_squeeze %dma_wait3A_770 : memref<1x50xi32, #tpu.memory_space<vmem>> -> memref<50xi32, #tpu.memory_space<vmem>>
      %dma_wait3A_772 = arith.constant 0 : i32
      %dma_wait3A_773 = arith.constant 0 : i32
      %dma_wait3A_774 = tpu.memref_slice %arg3[%dma_wait3A_772, %dma_wait3A_773] : memref<1000000x32xf32, #tpu.memory_space<hbm>> -> memref<1000000x32xf32, #tpu.memory_space<hbm>>
      tpu.wait_indirect_dma semaphore(%arg9 : memref<!tpu.dma_semaphore, #tpu.memory_space<semaphore_mem>>) src(%dma_wait3A_774 : memref<1000000x32xf32, #tpu.memory_space<hbm>>) dst(%dma_wait3A_768 : memref<50x32xf32, #tpu.memory_space<vmem>>)
      %mul3A_775 = arith.constant 16 : i32
      %mul3A_776 = arith.muli %add3A_223, %mul3A_775 : i32
      %add3A_777 = arith.constant 4 : i32
      %add3A_778 = arith.addi %mul3A_776, %add3A_777 : i32
      %dma_wait3A_779 = arith.constant 4 : i32
      %dma_wait3A_780 = arith.constant 0 : i32
      %dma_wait3A_781 = arith.constant 0 : i32
      %dma_wait3A_782 = tpu.memref_slice %arg8[%dma_wait3A_779, %dma_wait3A_780, %dma_wait3A_781] : memref<16x50x32xf32, #tpu.memory_space<vmem>> -> memref<1x50x32xf32, #tpu.memory_space<vmem>>
      %dma_wait3A_783 = tpu.memref_squeeze %dma_wait3A_782 : memref<1x50x32xf32, #tpu.memory_space<vmem>> -> memref<50x32xf32, #tpu.memory_space<vmem>>
      %dma_wait3A_784 = arith.constant 0 : i32
      %dma_wait3A_785 = tpu.memref_slice %arg6[%add3A_778, %dma_wait3A_784] : memref<512x50xi32, #tpu.memory_space<vmem>> -> memref<1x50xi32, #tpu.memory_space<vmem>>
      %dma_wait3A_786 = tpu.memref_squeeze %dma_wait3A_785 : memref<1x50xi32, #tpu.memory_space<vmem>> -> memref<50xi32, #tpu.memory_space<vmem>>
      %dma_wait3A_787 = arith.constant 0 : i32
      %dma_wait3A_788 = arith.constant 0 : i32
      %dma_wait3A_789 = tpu.memref_slice %arg3[%dma_wait3A_787, %dma_wait3A_788] : memref<1000000x32xf32, #tpu.memory_space<hbm>> -> memref<1000000x32xf32, #tpu.memory_space<hbm>>
      tpu.wait_indirect_dma semaphore(%arg9 : memref<!tpu.dma_semaphore, #tpu.memory_space<semaphore_mem>>) src(%dma_wait3A_789 : memref<1000000x32xf32, #tpu.memory_space<hbm>>) dst(%dma_wait3A_783 : memref<50x32xf32, #tpu.memory_space<vmem>>)
      %mul3A_790 = arith.constant 16 : i32
      %mul3A_791 = arith.muli %add3A_223, %mul3A_790 : i32
      %add3A_792 = arith.constant 5 : i32
      %add3A_793 = arith.addi %mul3A_791, %add3A_792 : i32
      %dma_wait3A_794 = arith.constant 5 : i32
      %dma_wait3A_795 = arith.constant 0 : i32
      %dma_wait3A_796 = arith.constant 0 : i32
      %dma_wait3A_797 = tpu.memref_slice %arg8[%dma_wait3A_794, %dma_wait3A_795, %dma_wait3A_796] : memref<16x50x32xf32, #tpu.memory_space<vmem>> -> memref<1x50x32xf32, #tpu.memory_space<vmem>>
      %dma_wait3A_798 = tpu.memref_squeeze %dma_wait3A_797 : memref<1x50x32xf32, #tpu.memory_space<vmem>> -> memref<50x32xf32, #tpu.memory_space<vmem>>
      %dma_wait3A_799 = arith.constant 0 : i32
      %dma_wait3A_800 = tpu.memref_slice %arg6[%add3A_793, %dma_wait3A_799] : memref<512x50xi32, #tpu.memory_space<vmem>> -> memref<1x50xi32, #tpu.memory_space<vmem>>
      %dma_wait3A_801 = tpu.memref_squeeze %dma_wait3A_800 : memref<1x50xi32, #tpu.memory_space<vmem>> -> memref<50xi32, #tpu.memory_space<vmem>>
      %dma_wait3A_802 = arith.constant 0 : i32
      %dma_wait3A_803 = arith.constant 0 : i32
      %dma_wait3A_804 = tpu.memref_slice %arg3[%dma_wait3A_802, %dma_wait3A_803] : memref<1000000x32xf32, #tpu.memory_space<hbm>> -> memref<1000000x32xf32, #tpu.memory_space<hbm>>
      tpu.wait_indirect_dma semaphore(%arg9 : memref<!tpu.dma_semaphore, #tpu.memory_space<semaphore_mem>>) src(%dma_wait3A_804 : memref<1000000x32xf32, #tpu.memory_space<hbm>>) dst(%dma_wait3A_798 : memref<50x32xf32, #tpu.memory_space<vmem>>)
      %mul3A_805 = arith.constant 16 : i32
      %mul3A_806 = arith.muli %add3A_223, %mul3A_805 : i32
      %add3A_807 = arith.constant 6 : i32
      %add3A_808 = arith.addi %mul3A_806, %add3A_807 : i32
      %dma_wait3A_809 = arith.constant 6 : i32
      %dma_wait3A_810 = arith.constant 0 : i32
      %dma_wait3A_811 = arith.constant 0 : i32
      %dma_wait3A_812 = tpu.memref_slice %arg8[%dma_wait3A_809, %dma_wait3A_810, %dma_wait3A_811] : memref<16x50x32xf32, #tpu.memory_space<vmem>> -> memref<1x50x32xf32, #tpu.memory_space<vmem>>
      %dma_wait3A_813 = tpu.memref_squeeze %dma_wait3A_812 : memref<1x50x32xf32, #tpu.memory_space<vmem>> -> memref<50x32xf32, #tpu.memory_space<vmem>>
      %dma_wait3A_814 = arith.constant 0 : i32
      %dma_wait3A_815 = tpu.memref_slice %arg6[%add3A_808, %dma_wait3A_814] : memref<512x50xi32, #tpu.memory_space<vmem>> -> memref<1x50xi32, #tpu.memory_space<vmem>>
      %dma_wait3A_816 = tpu.memref_squeeze %dma_wait3A_815 : memref<1x50xi32, #tpu.memory_space<vmem>> -> memref<50xi32, #tpu.memory_space<vmem>>
      %dma_wait3A_817 = arith.constant 0 : i32
      %dma_wait3A_818 = arith.constant 0 : i32
      %dma_wait3A_819 = tpu.memref_slice %arg3[%dma_wait3A_817, %dma_wait3A_818] : memref<1000000x32xf32, #tpu.memory_space<hbm>> -> memref<1000000x32xf32, #tpu.memory_space<hbm>>
      tpu.wait_indirect_dma semaphore(%arg9 : memref<!tpu.dma_semaphore, #tpu.memory_space<semaphore_mem>>) src(%dma_wait3A_819 : memref<1000000x32xf32, #tpu.memory_space<hbm>>) dst(%dma_wait3A_813 : memref<50x32xf32, #tpu.memory_space<vmem>>)
      %mul3A_820 = arith.constant 16 : i32
      %mul3A_821 = arith.muli %add3A_223, %mul3A_820 : i32
      %add3A_822 = arith.constant 7 : i32
      %add3A_823 = arith.addi %mul3A_821, %add3A_822 : i32
      %dma_wait3A_824 = arith.constant 7 : i32
      %dma_wait3A_825 = arith.constant 0 : i32
      %dma_wait3A_826 = arith.constant 0 : i32
      %dma_wait3A_827 = tpu.memref_slice %arg8[%dma_wait3A_824, %dma_wait3A_825, %dma_wait3A_826] : memref<16x50x32xf32, #tpu.memory_space<vmem>> -> memref<1x50x32xf32, #tpu.memory_space<vmem>>
      %dma_wait3A_828 = tpu.memref_squeeze %dma_wait3A_827 : memref<1x50x32xf32, #tpu.memory_space<vmem>> -> memref<50x32xf32, #tpu.memory_space<vmem>>
      %dma_wait3A_829 = arith.constant 0 : i32
      %dma_wait3A_830 = tpu.memref_slice %arg6[%add3A_823, %dma_wait3A_829] : memref<512x50xi32, #tpu.memory_space<vmem>> -> memref<1x50xi32, #tpu.memory_space<vmem>>
      %dma_wait3A_831 = tpu.memref_squeeze %dma_wait3A_830 : memref<1x50xi32, #tpu.memory_space<vmem>> -> memref<50xi32, #tpu.memory_space<vmem>>
      %dma_wait3A_832 = arith.constant 0 : i32
      %dma_wait3A_833 = arith.constant 0 : i32
      %dma_wait3A_834 = tpu.memref_slice %arg3[%dma_wait3A_832, %dma_wait3A_833] : memref<1000000x32xf32, #tpu.memory_space<hbm>> -> memref<1000000x32xf32, #tpu.memory_space<hbm>>
      tpu.wait_indirect_dma semaphore(%arg9 : memref<!tpu.dma_semaphore, #tpu.memory_space<semaphore_mem>>) src(%dma_wait3A_834 : memref<1000000x32xf32, #tpu.memory_space<hbm>>) dst(%dma_wait3A_828 : memref<50x32xf32, #tpu.memory_space<vmem>>)
      %mul3A_835 = arith.constant 16 : i32
      %mul3A_836 = arith.muli %add3A_223, %mul3A_835 : i32
      %add3A_837 = arith.constant 8 : i32
      %add3A_838 = arith.addi %mul3A_836, %add3A_837 : i32
      %dma_wait3A_839 = arith.constant 8 : i32
      %dma_wait3A_840 = arith.constant 0 : i32
      %dma_wait3A_841 = arith.constant 0 : i32
      %dma_wait3A_842 = tpu.memref_slice %arg8[%dma_wait3A_839, %dma_wait3A_840, %dma_wait3A_841] : memref<16x50x32xf32, #tpu.memory_space<vmem>> -> memref<1x50x32xf32, #tpu.memory_space<vmem>>
      %dma_wait3A_843 = tpu.memref_squeeze %dma_wait3A_842 : memref<1x50x32xf32, #tpu.memory_space<vmem>> -> memref<50x32xf32, #tpu.memory_space<vmem>>
      %dma_wait3A_844 = arith.constant 0 : i32
      %dma_wait3A_845 = tpu.memref_slice %arg6[%add3A_838, %dma_wait3A_844] : memref<512x50xi32, #tpu.memory_space<vmem>> -> memref<1x50xi32, #tpu.memory_space<vmem>>
      %dma_wait3A_846 = tpu.memref_squeeze %dma_wait3A_845 : memref<1x50xi32, #tpu.memory_space<vmem>> -> memref<50xi32, #tpu.memory_space<vmem>>
      %dma_wait3A_847 = arith.constant 0 : i32
      %dma_wait3A_848 = arith.constant 0 : i32
      %dma_wait3A_849 = tpu.memref_slice %arg3[%dma_wait3A_847, %dma_wait3A_848] : memref<1000000x32xf32, #tpu.memory_space<hbm>> -> memref<1000000x32xf32, #tpu.memory_space<hbm>>
      tpu.wait_indirect_dma semaphore(%arg9 : memref<!tpu.dma_semaphore, #tpu.memory_space<semaphore_mem>>) src(%dma_wait3A_849 : memref<1000000x32xf32, #tpu.memory_space<hbm>>) dst(%dma_wait3A_843 : memref<50x32xf32, #tpu.memory_space<vmem>>)
      %mul3A_850 = arith.constant 16 : i32
      %mul3A_851 = arith.muli %add3A_223, %mul3A_850 : i32
      %add3A_852 = arith.constant 9 : i32
      %add3A_853 = arith.addi %mul3A_851, %add3A_852 : i32
      %dma_wait3A_854 = arith.constant 9 : i32
      %dma_wait3A_855 = arith.constant 0 : i32
      %dma_wait3A_856 = arith.constant 0 : i32
      %dma_wait3A_857 = tpu.memref_slice %arg8[%dma_wait3A_854, %dma_wait3A_855, %dma_wait3A_856] : memref<16x50x32xf32, #tpu.memory_space<vmem>> -> memref<1x50x32xf32, #tpu.memory_space<vmem>>
      %dma_wait3A_858 = tpu.memref_squeeze %dma_wait3A_857 : memref<1x50x32xf32, #tpu.memory_space<vmem>> -> memref<50x32xf32, #tpu.memory_space<vmem>>
      %dma_wait3A_859 = arith.constant 0 : i32
      %dma_wait3A_860 = tpu.memref_slice %arg6[%add3A_853, %dma_wait3A_859] : memref<512x50xi32, #tpu.memory_space<vmem>> -> memref<1x50xi32, #tpu.memory_space<vmem>>
      %dma_wait3A_861 = tpu.memref_squeeze %dma_wait3A_860 : memref<1x50xi32, #tpu.memory_space<vmem>> -> memref<50xi32, #tpu.memory_space<vmem>>
      %dma_wait3A_862 = arith.constant 0 : i32
      %dma_wait3A_863 = arith.constant 0 : i32
      %dma_wait3A_864 = tpu.memref_slice %arg3[%dma_wait3A_862, %dma_wait3A_863] : memref<1000000x32xf32, #tpu.memory_space<hbm>> -> memref<1000000x32xf32, #tpu.memory_space<hbm>>
      tpu.wait_indirect_dma semaphore(%arg9 : memref<!tpu.dma_semaphore, #tpu.memory_space<semaphore_mem>>) src(%dma_wait3A_864 : memref<1000000x32xf32, #tpu.memory_space<hbm>>) dst(%dma_wait3A_858 : memref<50x32xf32, #tpu.memory_space<vmem>>)
      %mul3A_865 = arith.constant 16 : i32
      %mul3A_866 = arith.muli %add3A_223, %mul3A_865 : i32
      %add3A_867 = arith.constant 10 : i32
      %add3A_868 = arith.addi %mul3A_866, %add3A_867 : i32
      %dma_wait3A_869 = arith.constant 10 : i32
      %dma_wait3A_870 = arith.constant 0 : i32
      %dma_wait3A_871 = arith.constant 0 : i32
      %dma_wait3A_872 = tpu.memref_slice %arg8[%dma_wait3A_869, %dma_wait3A_870, %dma_wait3A_871] : memref<16x50x32xf32, #tpu.memory_space<vmem>> -> memref<1x50x32xf32, #tpu.memory_space<vmem>>
      %dma_wait3A_873 = tpu.memref_squeeze %dma_wait3A_872 : memref<1x50x32xf32, #tpu.memory_space<vmem>> -> memref<50x32xf32, #tpu.memory_space<vmem>>
      %dma_wait3A_874 = arith.constant 0 : i32
      %dma_wait3A_875 = tpu.memref_slice %arg6[%add3A_868, %dma_wait3A_874] : memref<512x50xi32, #tpu.memory_space<vmem>> -> memref<1x50xi32, #tpu.memory_space<vmem>>
      %dma_wait3A_876 = tpu.memref_squeeze %dma_wait3A_875 : memref<1x50xi32, #tpu.memory_space<vmem>> -> memref<50xi32, #tpu.memory_space<vmem>>
      %dma_wait3A_877 = arith.constant 0 : i32
      %dma_wait3A_878 = arith.constant 0 : i32
      %dma_wait3A_879 = tpu.memref_slice %arg3[%dma_wait3A_877, %dma_wait3A_878] : memref<1000000x32xf32, #tpu.memory_space<hbm>> -> memref<1000000x32xf32, #tpu.memory_space<hbm>>
      tpu.wait_indirect_dma semaphore(%arg9 : memref<!tpu.dma_semaphore, #tpu.memory_space<semaphore_mem>>) src(%dma_wait3A_879 : memref<1000000x32xf32, #tpu.memory_space<hbm>>) dst(%dma_wait3A_873 : memref<50x32xf32, #tpu.memory_space<vmem>>)
      %mul3A_880 = arith.constant 16 : i32
      %mul3A_881 = arith.muli %add3A_223, %mul3A_880 : i32
      %add3A_882 = arith.constant 11 : i32
      %add3A_883 = arith.addi %mul3A_881, %add3A_882 : i32
      %dma_wait3A_884 = arith.constant 11 : i32
      %dma_wait3A_885 = arith.constant 0 : i32
      %dma_wait3A_886 = arith.constant 0 : i32
      %dma_wait3A_887 = tpu.memref_slice %arg8[%dma_wait3A_884, %dma_wait3A_885, %dma_wait3A_886] : memref<16x50x32xf32, #tpu.memory_space<vmem>> -> memref<1x50x32xf32, #tpu.memory_space<vmem>>
      %dma_wait3A_888 = tpu.memref_squeeze %dma_wait3A_887 : memref<1x50x32xf32, #tpu.memory_space<vmem>> -> memref<50x32xf32, #tpu.memory_space<vmem>>
      %dma_wait3A_889 = arith.constant 0 : i32
      %dma_wait3A_890 = tpu.memref_slice %arg6[%add3A_883, %dma_wait3A_889] : memref<512x50xi32, #tpu.memory_space<vmem>> -> memref<1x50xi32, #tpu.memory_space<vmem>>
      %dma_wait3A_891 = tpu.memref_squeeze %dma_wait3A_890 : memref<1x50xi32, #tpu.memory_space<vmem>> -> memref<50xi32, #tpu.memory_space<vmem>>
      %dma_wait3A_892 = arith.constant 0 : i32
      %dma_wait3A_893 = arith.constant 0 : i32
      %dma_wait3A_894 = tpu.memref_slice %arg3[%dma_wait3A_892, %dma_wait3A_893] : memref<1000000x32xf32, #tpu.memory_space<hbm>> -> memref<1000000x32xf32, #tpu.memory_space<hbm>>
      tpu.wait_indirect_dma semaphore(%arg9 : memref<!tpu.dma_semaphore, #tpu.memory_space<semaphore_mem>>) src(%dma_wait3A_894 : memref<1000000x32xf32, #tpu.memory_space<hbm>>) dst(%dma_wait3A_888 : memref<50x32xf32, #tpu.memory_space<vmem>>)
      %mul3A_895 = arith.constant 16 : i32
      %mul3A_896 = arith.muli %add3A_223, %mul3A_895 : i32
      %add3A_897 = arith.constant 12 : i32
      %add3A_898 = arith.addi %mul3A_896, %add3A_897 : i32
      %dma_wait3A_899 = arith.constant 12 : i32
      %dma_wait3A_900 = arith.constant 0 : i32
      %dma_wait3A_901 = arith.constant 0 : i32
      %dma_wait3A_902 = tpu.memref_slice %arg8[%dma_wait3A_899, %dma_wait3A_900, %dma_wait3A_901] : memref<16x50x32xf32, #tpu.memory_space<vmem>> -> memref<1x50x32xf32, #tpu.memory_space<vmem>>
      %dma_wait3A_903 = tpu.memref_squeeze %dma_wait3A_902 : memref<1x50x32xf32, #tpu.memory_space<vmem>> -> memref<50x32xf32, #tpu.memory_space<vmem>>
      %dma_wait3A_904 = arith.constant 0 : i32
      %dma_wait3A_905 = tpu.memref_slice %arg6[%add3A_898, %dma_wait3A_904] : memref<512x50xi32, #tpu.memory_space<vmem>> -> memref<1x50xi32, #tpu.memory_space<vmem>>
      %dma_wait3A_906 = tpu.memref_squeeze %dma_wait3A_905 : memref<1x50xi32, #tpu.memory_space<vmem>> -> memref<50xi32, #tpu.memory_space<vmem>>
      %dma_wait3A_907 = arith.constant 0 : i32
      %dma_wait3A_908 = arith.constant 0 : i32
      %dma_wait3A_909 = tpu.memref_slice %arg3[%dma_wait3A_907, %dma_wait3A_908] : memref<1000000x32xf32, #tpu.memory_space<hbm>> -> memref<1000000x32xf32, #tpu.memory_space<hbm>>
      tpu.wait_indirect_dma semaphore(%arg9 : memref<!tpu.dma_semaphore, #tpu.memory_space<semaphore_mem>>) src(%dma_wait3A_909 : memref<1000000x32xf32, #tpu.memory_space<hbm>>) dst(%dma_wait3A_903 : memref<50x32xf32, #tpu.memory_space<vmem>>)
      %mul3A_910 = arith.constant 16 : i32
      %mul3A_911 = arith.muli %add3A_223, %mul3A_910 : i32
      %add3A_912 = arith.constant 13 : i32
      %add3A_913 = arith.addi %mul3A_911, %add3A_912 : i32
      %dma_wait3A_914 = arith.constant 13 : i32
      %dma_wait3A_915 = arith.constant 0 : i32
      %dma_wait3A_916 = arith.constant 0 : i32
      %dma_wait3A_917 = tpu.memref_slice %arg8[%dma_wait3A_914, %dma_wait3A_915, %dma_wait3A_916] : memref<16x50x32xf32, #tpu.memory_space<vmem>> -> memref<1x50x32xf32, #tpu.memory_space<vmem>>
      %dma_wait3A_918 = tpu.memref_squeeze %dma_wait3A_917 : memref<1x50x32xf32, #tpu.memory_space<vmem>> -> memref<50x32xf32, #tpu.memory_space<vmem>>
      %dma_wait3A_919 = arith.constant 0 : i32
      %dma_wait3A_920 = tpu.memref_slice %arg6[%add3A_913, %dma_wait3A_919] : memref<512x50xi32, #tpu.memory_space<vmem>> -> memref<1x50xi32, #tpu.memory_space<vmem>>
      %dma_wait3A_921 = tpu.memref_squeeze %dma_wait3A_920 : memref<1x50xi32, #tpu.memory_space<vmem>> -> memref<50xi32, #tpu.memory_space<vmem>>
      %dma_wait3A_922 = arith.constant 0 : i32
      %dma_wait3A_923 = arith.constant 0 : i32
      %dma_wait3A_924 = tpu.memref_slice %arg3[%dma_wait3A_922, %dma_wait3A_923] : memref<1000000x32xf32, #tpu.memory_space<hbm>> -> memref<1000000x32xf32, #tpu.memory_space<hbm>>
      tpu.wait_indirect_dma semaphore(%arg9 : memref<!tpu.dma_semaphore, #tpu.memory_space<semaphore_mem>>) src(%dma_wait3A_924 : memref<1000000x32xf32, #tpu.memory_space<hbm>>) dst(%dma_wait3A_918 : memref<50x32xf32, #tpu.memory_space<vmem>>)
      %mul3A_925 = arith.constant 16 : i32
      %mul3A_926 = arith.muli %add3A_223, %mul3A_925 : i32
      %add3A_927 = arith.constant 14 : i32
      %add3A_928 = arith.addi %mul3A_926, %add3A_927 : i32
      %dma_wait3A_929 = arith.constant 14 : i32
      %dma_wait3A_930 = arith.constant 0 : i32
      %dma_wait3A_931 = arith.constant 0 : i32
      %dma_wait3A_932 = tpu.memref_slice %arg8[%dma_wait3A_929, %dma_wait3A_930, %dma_wait3A_931] : memref<16x50x32xf32, #tpu.memory_space<vmem>> -> memref<1x50x32xf32, #tpu.memory_space<vmem>>
      %dma_wait3A_933 = tpu.memref_squeeze %dma_wait3A_932 : memref<1x50x32xf32, #tpu.memory_space<vmem>> -> memref<50x32xf32, #tpu.memory_space<vmem>>
      %dma_wait3A_934 = arith.constant 0 : i32
      %dma_wait3A_935 = tpu.memref_slice %arg6[%add3A_928, %dma_wait3A_934] : memref<512x50xi32, #tpu.memory_space<vmem>> -> memref<1x50xi32, #tpu.memory_space<vmem>>
      %dma_wait3A_936 = tpu.memref_squeeze %dma_wait3A_935 : memref<1x50xi32, #tpu.memory_space<vmem>> -> memref<50xi32, #tpu.memory_space<vmem>>
      %dma_wait3A_937 = arith.constant 0 : i32
      %dma_wait3A_938 = arith.constant 0 : i32
      %dma_wait3A_939 = tpu.memref_slice %arg3[%dma_wait3A_937, %dma_wait3A_938] : memref<1000000x32xf32, #tpu.memory_space<hbm>> -> memref<1000000x32xf32, #tpu.memory_space<hbm>>
      tpu.wait_indirect_dma semaphore(%arg9 : memref<!tpu.dma_semaphore, #tpu.memory_space<semaphore_mem>>) src(%dma_wait3A_939 : memref<1000000x32xf32, #tpu.memory_space<hbm>>) dst(%dma_wait3A_933 : memref<50x32xf32, #tpu.memory_space<vmem>>)
      %mul3A_940 = arith.constant 16 : i32
      %mul3A_941 = arith.muli %add3A_223, %mul3A_940 : i32
      %add3A_942 = arith.constant 15 : i32
      %add3A_943 = arith.addi %mul3A_941, %add3A_942 : i32
      %dma_wait3A_944 = arith.constant 15 : i32
      %dma_wait3A_945 = arith.constant 0 : i32
      %dma_wait3A_946 = arith.constant 0 : i32
      %dma_wait3A_947 = tpu.memref_slice %arg8[%dma_wait3A_944, %dma_wait3A_945, %dma_wait3A_946] : memref<16x50x32xf32, #tpu.memory_space<vmem>> -> memref<1x50x32xf32, #tpu.memory_space<vmem>>
      %dma_wait3A_948 = tpu.memref_squeeze %dma_wait3A_947 : memref<1x50x32xf32, #tpu.memory_space<vmem>> -> memref<50x32xf32, #tpu.memory_space<vmem>>
      %dma_wait3A_949 = arith.constant 0 : i32
      %dma_wait3A_950 = tpu.memref_slice %arg6[%add3A_943, %dma_wait3A_949] : memref<512x50xi32, #tpu.memory_space<vmem>> -> memref<1x50xi32, #tpu.memory_space<vmem>>
      %dma_wait3A_951 = tpu.memref_squeeze %dma_wait3A_950 : memref<1x50xi32, #tpu.memory_space<vmem>> -> memref<50xi32, #tpu.memory_space<vmem>>
      %dma_wait3A_952 = arith.constant 0 : i32
      %dma_wait3A_953 = arith.constant 0 : i32
      %dma_wait3A_954 = tpu.memref_slice %arg3[%dma_wait3A_952, %dma_wait3A_953] : memref<1000000x32xf32, #tpu.memory_space<hbm>> -> memref<1000000x32xf32, #tpu.memory_space<hbm>>
      tpu.wait_indirect_dma semaphore(%arg9 : memref<!tpu.dma_semaphore, #tpu.memory_space<semaphore_mem>>) src(%dma_wait3A_954 : memref<1000000x32xf32, #tpu.memory_space<hbm>>) dst(%dma_wait3A_948 : memref<50x32xf32, #tpu.memory_space<vmem>>)
      %mul3A_955 = arith.constant 16 : i32
      %mul3A_956 = arith.muli %mul3A_219, %mul3A_955 : i32
      %add3A_957 = arith.addi %mul3A_2, %mul3A_956 : i32
      %dma_wait3A_958 = arith.constant 0 : i32
      %dma_wait3A_959 = arith.constant 0 : i32
      %dma_wait3A_960 = tpu.memref_slice %arg4[%add3A_957, %dma_wait3A_958, %dma_wait3A_959] : memref<16384x50x32xf32, #tpu.memory_space<hbm>> -> memref<16x50x32xf32, #tpu.memory_space<hbm>>
      %dma_wait3A_961 = arith.constant 0 : i32
      %dma_wait3A_962 = arith.constant 0 : i32
      %dma_wait3A_963 = tpu.memref_slice %arg4[%add3A_957, %dma_wait3A_961, %dma_wait3A_962] : memref<16384x50x32xf32, #tpu.memory_space<hbm>> -> memref<16x50x32xf32, #tpu.memory_space<hbm>>
      tpu.wait_dma2 semaphore(%arg10 : memref<!tpu.dma_semaphore, #tpu.memory_space<semaphore_mem>>) src(%arg7 : memref<16x50x32xf32, #tpu.memory_space<vmem>>) dst(%dma_wait3A_963 : memref<16x50x32xf32, #tpu.memory_space<hbm>>)
      %lt3A = arith.constant 15 : i32
      %lt3A_964 = arith.cmpi slt, %scan3A_216, %lt3A : i32
      %convert_element_type3A_965 = arith.extui %lt3A_964 : i1 to i32
      %cond3A_966 = arith.constant 0 : i32
      %cond3A_967 = arith.cmpi ne, %convert_element_type3A_965, %cond3A_966 : i32
      scf.if %cond3A_967 {
        %add3A_978 = arith.constant 2 : i32
        %add3A_979 = arith.addi %mul3A_219, %add3A_978 : i32
        %mul3A_980 = arith.constant 16 : i32
        %mul3A_981 = arith.muli %add3A_979, %mul3A_980 : i32
        %add3A_982 = arith.constant 0 : i32
        %add3A_983 = arith.addi %mul3A_981, %add3A_982 : i32
        %dma_start3A_984 = arith.constant 0 : i32
        %dma_start3A_985 = arith.constant 0 : i32
        %dma_start3A_986 = arith.constant 0 : i32
        %dma_start3A_987 = tpu.memref_slice %arg7[%dma_start3A_984, %dma_start3A_985, %dma_start3A_986] : memref<16x50x32xf32, #tpu.memory_space<vmem>> -> memref<1x50x32xf32, #tpu.memory_space<vmem>>
        %dma_start3A_988 = tpu.memref_squeeze %dma_start3A_987 : memref<1x50x32xf32, #tpu.memory_space<vmem>> -> memref<50x32xf32, #tpu.memory_space<vmem>>
        %dma_start3A_989 = arith.constant 0 : i32
        %dma_start3A_990 = tpu.memref_slice %arg6[%add3A_983, %dma_start3A_989] : memref<512x50xi32, #tpu.memory_space<vmem>> -> memref<1x50xi32, #tpu.memory_space<vmem>>
        %dma_start3A_991 = tpu.memref_squeeze %dma_start3A_990 : memref<1x50xi32, #tpu.memory_space<vmem>> -> memref<50xi32, #tpu.memory_space<vmem>>
        %dma_start3A_992 = arith.constant 0 : i32
        %dma_start3A_993 = arith.constant 0 : i32
        %dma_start3A_994 = tpu.memref_slice %arg3[%dma_start3A_992, %dma_start3A_993] : memref<1000000x32xf32, #tpu.memory_space<hbm>> -> memref<1000000x32xf32, #tpu.memory_space<hbm>>
        tpu.enqueue_indirect_dma source(%dma_start3A_994 : memref<1000000x32xf32, #tpu.memory_space<hbm>>) target(%dma_start3A_988 : memref<50x32xf32, #tpu.memory_space<vmem>>) offsets(%dma_start3A_991 : memref<50xi32, #tpu.memory_space<vmem>>) semaphore(%arg9 : memref<!tpu.dma_semaphore, #tpu.memory_space<semaphore_mem>>)
        %mul3A_995 = arith.constant 16 : i32
        %mul3A_996 = arith.muli %add3A_979, %mul3A_995 : i32
        %add3A_997 = arith.constant 1 : i32
        %add3A_998 = arith.addi %mul3A_996, %add3A_997 : i32
        %dma_start3A_999 = arith.constant 1 : i32
        %dma_start3A_1000 = arith.constant 0 : i32
        %dma_start3A_1001 = arith.constant 0 : i32
        %dma_start3A_1002 = tpu.memref_slice %arg7[%dma_start3A_999, %dma_start3A_1000, %dma_start3A_1001] : memref<16x50x32xf32, #tpu.memory_space<vmem>> -> memref<1x50x32xf32, #tpu.memory_space<vmem>>
        %dma_start3A_1003 = tpu.memref_squeeze %dma_start3A_1002 : memref<1x50x32xf32, #tpu.memory_space<vmem>> -> memref<50x32xf32, #tpu.memory_space<vmem>>
        %dma_start3A_1004 = arith.constant 0 : i32
        %dma_start3A_1005 = tpu.memref_slice %arg6[%add3A_998, %dma_start3A_1004] : memref<512x50xi32, #tpu.memory_space<vmem>> -> memref<1x50xi32, #tpu.memory_space<vmem>>
        %dma_start3A_1006 = tpu.memref_squeeze %dma_start3A_1005 : memref<1x50xi32, #tpu.memory_space<vmem>> -> memref<50xi32, #tpu.memory_space<vmem>>
        %dma_start3A_1007 = arith.constant 0 : i32
        %dma_start3A_1008 = arith.constant 0 : i32
        %dma_start3A_1009 = tpu.memref_slice %arg3[%dma_start3A_1007, %dma_start3A_1008] : memref<1000000x32xf32, #tpu.memory_space<hbm>> -> memref<1000000x32xf32, #tpu.memory_space<hbm>>
        tpu.enqueue_indirect_dma source(%dma_start3A_1009 : memref<1000000x32xf32, #tpu.memory_space<hbm>>) target(%dma_start3A_1003 : memref<50x32xf32, #tpu.memory_space<vmem>>) offsets(%dma_start3A_1006 : memref<50xi32, #tpu.memory_space<vmem>>) semaphore(%arg9 : memref<!tpu.dma_semaphore, #tpu.memory_space<semaphore_mem>>)
        %mul3A_1010 = arith.constant 16 : i32
        %mul3A_1011 = arith.muli %add3A_979, %mul3A_1010 : i32
        %add3A_1012 = arith.constant 2 : i32
        %add3A_1013 = arith.addi %mul3A_1011, %add3A_1012 : i32
        %dma_start3A_1014 = arith.constant 2 : i32
        %dma_start3A_1015 = arith.constant 0 : i32
        %dma_start3A_1016 = arith.constant 0 : i32
        %dma_start3A_1017 = tpu.memref_slice %arg7[%dma_start3A_1014, %dma_start3A_1015, %dma_start3A_1016] : memref<16x50x32xf32, #tpu.memory_space<vmem>> -> memref<1x50x32xf32, #tpu.memory_space<vmem>>
        %dma_start3A_1018 = tpu.memref_squeeze %dma_start3A_1017 : memref<1x50x32xf32, #tpu.memory_space<vmem>> -> memref<50x32xf32, #tpu.memory_space<vmem>>
        %dma_start3A_1019 = arith.constant 0 : i32
        %dma_start3A_1020 = tpu.memref_slice %arg6[%add3A_1013, %dma_start3A_1019] : memref<512x50xi32, #tpu.memory_space<vmem>> -> memref<1x50xi32, #tpu.memory_space<vmem>>
        %dma_start3A_1021 = tpu.memref_squeeze %dma_start3A_1020 : memref<1x50xi32, #tpu.memory_space<vmem>> -> memref<50xi32, #tpu.memory_space<vmem>>
        %dma_start3A_1022 = arith.constant 0 : i32
        %dma_start3A_1023 = arith.constant 0 : i32
        %dma_start3A_1024 = tpu.memref_slice %arg3[%dma_start3A_1022, %dma_start3A_1023] : memref<1000000x32xf32, #tpu.memory_space<hbm>> -> memref<1000000x32xf32, #tpu.memory_space<hbm>>
        tpu.enqueue_indirect_dma source(%dma_start3A_1024 : memref<1000000x32xf32, #tpu.memory_space<hbm>>) target(%dma_start3A_1018 : memref<50x32xf32, #tpu.memory_space<vmem>>) offsets(%dma_start3A_1021 : memref<50xi32, #tpu.memory_space<vmem>>) semaphore(%arg9 : memref<!tpu.dma_semaphore, #tpu.memory_space<semaphore_mem>>)
        %mul3A_1025 = arith.constant 16 : i32
        %mul3A_1026 = arith.muli %add3A_979, %mul3A_1025 : i32
        %add3A_1027 = arith.constant 3 : i32
        %add3A_1028 = arith.addi %mul3A_1026, %add3A_1027 : i32
        %dma_start3A_1029 = arith.constant 3 : i32
        %dma_start3A_1030 = arith.constant 0 : i32
        %dma_start3A_1031 = arith.constant 0 : i32
        %dma_start3A_1032 = tpu.memref_slice %arg7[%dma_start3A_1029, %dma_start3A_1030, %dma_start3A_1031] : memref<16x50x32xf32, #tpu.memory_space<vmem>> -> memref<1x50x32xf32, #tpu.memory_space<vmem>>
        %dma_start3A_1033 = tpu.memref_squeeze %dma_start3A_1032 : memref<1x50x32xf32, #tpu.memory_space<vmem>> -> memref<50x32xf32, #tpu.memory_space<vmem>>
        %dma_start3A_1034 = arith.constant 0 : i32
        %dma_start3A_1035 = tpu.memref_slice %arg6[%add3A_1028, %dma_start3A_1034] : memref<512x50xi32, #tpu.memory_space<vmem>> -> memref<1x50xi32, #tpu.memory_space<vmem>>
        %dma_start3A_1036 = tpu.memref_squeeze %dma_start3A_1035 : memref<1x50xi32, #tpu.memory_space<vmem>> -> memref<50xi32, #tpu.memory_space<vmem>>
        %dma_start3A_1037 = arith.constant 0 : i32
        %dma_start3A_1038 = arith.constant 0 : i32
        %dma_start3A_1039 = tpu.memref_slice %arg3[%dma_start3A_1037, %dma_start3A_1038] : memref<1000000x32xf32, #tpu.memory_space<hbm>> -> memref<1000000x32xf32, #tpu.memory_space<hbm>>
        tpu.enqueue_indirect_dma source(%dma_start3A_1039 : memref<1000000x32xf32, #tpu.memory_space<hbm>>) target(%dma_start3A_1033 : memref<50x32xf32, #tpu.memory_space<vmem>>) offsets(%dma_start3A_1036 : memref<50xi32, #tpu.memory_space<vmem>>) semaphore(%arg9 : memref<!tpu.dma_semaphore, #tpu.memory_space<semaphore_mem>>)
        %mul3A_1040 = arith.constant 16 : i32
        %mul3A_1041 = arith.muli %add3A_979, %mul3A_1040 : i32
        %add3A_1042 = arith.constant 4 : i32
        %add3A_1043 = arith.addi %mul3A_1041, %add3A_1042 : i32
        %dma_start3A_1044 = arith.constant 4 : i32
        %dma_start3A_1045 = arith.constant 0 : i32
        %dma_start3A_1046 = arith.constant 0 : i32
        %dma_start3A_1047 = tpu.memref_slice %arg7[%dma_start3A_1044, %dma_start3A_1045, %dma_start3A_1046] : memref<16x50x32xf32, #tpu.memory_space<vmem>> -> memref<1x50x32xf32, #tpu.memory_space<vmem>>
        %dma_start3A_1048 = tpu.memref_squeeze %dma_start3A_1047 : memref<1x50x32xf32, #tpu.memory_space<vmem>> -> memref<50x32xf32, #tpu.memory_space<vmem>>
        %dma_start3A_1049 = arith.constant 0 : i32
        %dma_start3A_1050 = tpu.memref_slice %arg6[%add3A_1043, %dma_start3A_1049] : memref<512x50xi32, #tpu.memory_space<vmem>> -> memref<1x50xi32, #tpu.memory_space<vmem>>
        %dma_start3A_1051 = tpu.memref_squeeze %dma_start3A_1050 : memref<1x50xi32, #tpu.memory_space<vmem>> -> memref<50xi32, #tpu.memory_space<vmem>>
        %dma_start3A_1052 = arith.constant 0 : i32
        %dma_start3A_1053 = arith.constant 0 : i32
        %dma_start3A_1054 = tpu.memref_slice %arg3[%dma_start3A_1052, %dma_start3A_1053] : memref<1000000x32xf32, #tpu.memory_space<hbm>> -> memref<1000000x32xf32, #tpu.memory_space<hbm>>
        tpu.enqueue_indirect_dma source(%dma_start3A_1054 : memref<1000000x32xf32, #tpu.memory_space<hbm>>) target(%dma_start3A_1048 : memref<50x32xf32, #tpu.memory_space<vmem>>) offsets(%dma_start3A_1051 : memref<50xi32, #tpu.memory_space<vmem>>) semaphore(%arg9 : memref<!tpu.dma_semaphore, #tpu.memory_space<semaphore_mem>>)
        %mul3A_1055 = arith.constant 16 : i32
        %mul3A_1056 = arith.muli %add3A_979, %mul3A_1055 : i32
        %add3A_1057 = arith.constant 5 : i32
        %add3A_1058 = arith.addi %mul3A_1056, %add3A_1057 : i32
        %dma_start3A_1059 = arith.constant 5 : i32
        %dma_start3A_1060 = arith.constant 0 : i32
        %dma_start3A_1061 = arith.constant 0 : i32
        %dma_start3A_1062 = tpu.memref_slice %arg7[%dma_start3A_1059, %dma_start3A_1060, %dma_start3A_1061] : memref<16x50x32xf32, #tpu.memory_space<vmem>> -> memref<1x50x32xf32, #tpu.memory_space<vmem>>
        %dma_start3A_1063 = tpu.memref_squeeze %dma_start3A_1062 : memref<1x50x32xf32, #tpu.memory_space<vmem>> -> memref<50x32xf32, #tpu.memory_space<vmem>>
        %dma_start3A_1064 = arith.constant 0 : i32
        %dma_start3A_1065 = tpu.memref_slice %arg6[%add3A_1058, %dma_start3A_1064] : memref<512x50xi32, #tpu.memory_space<vmem>> -> memref<1x50xi32, #tpu.memory_space<vmem>>
        %dma_start3A_1066 = tpu.memref_squeeze %dma_start3A_1065 : memref<1x50xi32, #tpu.memory_space<vmem>> -> memref<50xi32, #tpu.memory_space<vmem>>
        %dma_start3A_1067 = arith.constant 0 : i32
        %dma_start3A_1068 = arith.constant 0 : i32
        %dma_start3A_1069 = tpu.memref_slice %arg3[%dma_start3A_1067, %dma_start3A_1068] : memref<1000000x32xf32, #tpu.memory_space<hbm>> -> memref<1000000x32xf32, #tpu.memory_space<hbm>>
        tpu.enqueue_indirect_dma source(%dma_start3A_1069 : memref<1000000x32xf32, #tpu.memory_space<hbm>>) target(%dma_start3A_1063 : memref<50x32xf32, #tpu.memory_space<vmem>>) offsets(%dma_start3A_1066 : memref<50xi32, #tpu.memory_space<vmem>>) semaphore(%arg9 : memref<!tpu.dma_semaphore, #tpu.memory_space<semaphore_mem>>)
        %mul3A_1070 = arith.constant 16 : i32
        %mul3A_1071 = arith.muli %add3A_979, %mul3A_1070 : i32
        %add3A_1072 = arith.constant 6 : i32
        %add3A_1073 = arith.addi %mul3A_1071, %add3A_1072 : i32
        %dma_start3A_1074 = arith.constant 6 : i32
        %dma_start3A_1075 = arith.constant 0 : i32
        %dma_start3A_1076 = arith.constant 0 : i32
        %dma_start3A_1077 = tpu.memref_slice %arg7[%dma_start3A_1074, %dma_start3A_1075, %dma_start3A_1076] : memref<16x50x32xf32, #tpu.memory_space<vmem>> -> memref<1x50x32xf32, #tpu.memory_space<vmem>>
        %dma_start3A_1078 = tpu.memref_squeeze %dma_start3A_1077 : memref<1x50x32xf32, #tpu.memory_space<vmem>> -> memref<50x32xf32, #tpu.memory_space<vmem>>
        %dma_start3A_1079 = arith.constant 0 : i32
        %dma_start3A_1080 = tpu.memref_slice %arg6[%add3A_1073, %dma_start3A_1079] : memref<512x50xi32, #tpu.memory_space<vmem>> -> memref<1x50xi32, #tpu.memory_space<vmem>>
        %dma_start3A_1081 = tpu.memref_squeeze %dma_start3A_1080 : memref<1x50xi32, #tpu.memory_space<vmem>> -> memref<50xi32, #tpu.memory_space<vmem>>
        %dma_start3A_1082 = arith.constant 0 : i32
        %dma_start3A_1083 = arith.constant 0 : i32
        %dma_start3A_1084 = tpu.memref_slice %arg3[%dma_start3A_1082, %dma_start3A_1083] : memref<1000000x32xf32, #tpu.memory_space<hbm>> -> memref<1000000x32xf32, #tpu.memory_space<hbm>>
        tpu.enqueue_indirect_dma source(%dma_start3A_1084 : memref<1000000x32xf32, #tpu.memory_space<hbm>>) target(%dma_start3A_1078 : memref<50x32xf32, #tpu.memory_space<vmem>>) offsets(%dma_start3A_1081 : memref<50xi32, #tpu.memory_space<vmem>>) semaphore(%arg9 : memref<!tpu.dma_semaphore, #tpu.memory_space<semaphore_mem>>)
        %mul3A_1085 = arith.constant 16 : i32
        %mul3A_1086 = arith.muli %add3A_979, %mul3A_1085 : i32
        %add3A_1087 = arith.constant 7 : i32
        %add3A_1088 = arith.addi %mul3A_1086, %add3A_1087 : i32
        %dma_start3A_1089 = arith.constant 7 : i32
        %dma_start3A_1090 = arith.constant 0 : i32
        %dma_start3A_1091 = arith.constant 0 : i32
        %dma_start3A_1092 = tpu.memref_slice %arg7[%dma_start3A_1089, %dma_start3A_1090, %dma_start3A_1091] : memref<16x50x32xf32, #tpu.memory_space<vmem>> -> memref<1x50x32xf32, #tpu.memory_space<vmem>>
        %dma_start3A_1093 = tpu.memref_squeeze %dma_start3A_1092 : memref<1x50x32xf32, #tpu.memory_space<vmem>> -> memref<50x32xf32, #tpu.memory_space<vmem>>
        %dma_start3A_1094 = arith.constant 0 : i32
        %dma_start3A_1095 = tpu.memref_slice %arg6[%add3A_1088, %dma_start3A_1094] : memref<512x50xi32, #tpu.memory_space<vmem>> -> memref<1x50xi32, #tpu.memory_space<vmem>>
        %dma_start3A_1096 = tpu.memref_squeeze %dma_start3A_1095 : memref<1x50xi32, #tpu.memory_space<vmem>> -> memref<50xi32, #tpu.memory_space<vmem>>
        %dma_start3A_1097 = arith.constant 0 : i32
        %dma_start3A_1098 = arith.constant 0 : i32
        %dma_start3A_1099 = tpu.memref_slice %arg3[%dma_start3A_1097, %dma_start3A_1098] : memref<1000000x32xf32, #tpu.memory_space<hbm>> -> memref<1000000x32xf32, #tpu.memory_space<hbm>>
        tpu.enqueue_indirect_dma source(%dma_start3A_1099 : memref<1000000x32xf32, #tpu.memory_space<hbm>>) target(%dma_start3A_1093 : memref<50x32xf32, #tpu.memory_space<vmem>>) offsets(%dma_start3A_1096 : memref<50xi32, #tpu.memory_space<vmem>>) semaphore(%arg9 : memref<!tpu.dma_semaphore, #tpu.memory_space<semaphore_mem>>)
        %mul3A_1100 = arith.constant 16 : i32
        %mul3A_1101 = arith.muli %add3A_979, %mul3A_1100 : i32
        %add3A_1102 = arith.constant 8 : i32
        %add3A_1103 = arith.addi %mul3A_1101, %add3A_1102 : i32
        %dma_start3A_1104 = arith.constant 8 : i32
        %dma_start3A_1105 = arith.constant 0 : i32
        %dma_start3A_1106 = arith.constant 0 : i32
        %dma_start3A_1107 = tpu.memref_slice %arg7[%dma_start3A_1104, %dma_start3A_1105, %dma_start3A_1106] : memref<16x50x32xf32, #tpu.memory_space<vmem>> -> memref<1x50x32xf32, #tpu.memory_space<vmem>>
        %dma_start3A_1108 = tpu.memref_squeeze %dma_start3A_1107 : memref<1x50x32xf32, #tpu.memory_space<vmem>> -> memref<50x32xf32, #tpu.memory_space<vmem>>
        %dma_start3A_1109 = arith.constant 0 : i32
        %dma_start3A_1110 = tpu.memref_slice %arg6[%add3A_1103, %dma_start3A_1109] : memref<512x50xi32, #tpu.memory_space<vmem>> -> memref<1x50xi32, #tpu.memory_space<vmem>>
        %dma_start3A_1111 = tpu.memref_squeeze %dma_start3A_1110 : memref<1x50xi32, #tpu.memory_space<vmem>> -> memref<50xi32, #tpu.memory_space<vmem>>
        %dma_start3A_1112 = arith.constant 0 : i32
        %dma_start3A_1113 = arith.constant 0 : i32
        %dma_start3A_1114 = tpu.memref_slice %arg3[%dma_start3A_1112, %dma_start3A_1113] : memref<1000000x32xf32, #tpu.memory_space<hbm>> -> memref<1000000x32xf32, #tpu.memory_space<hbm>>
        tpu.enqueue_indirect_dma source(%dma_start3A_1114 : memref<1000000x32xf32, #tpu.memory_space<hbm>>) target(%dma_start3A_1108 : memref<50x32xf32, #tpu.memory_space<vmem>>) offsets(%dma_start3A_1111 : memref<50xi32, #tpu.memory_space<vmem>>) semaphore(%arg9 : memref<!tpu.dma_semaphore, #tpu.memory_space<semaphore_mem>>)
        %mul3A_1115 = arith.constant 16 : i32
        %mul3A_1116 = arith.muli %add3A_979, %mul3A_1115 : i32
        %add3A_1117 = arith.constant 9 : i32
        %add3A_1118 = arith.addi %mul3A_1116, %add3A_1117 : i32
        %dma_start3A_1119 = arith.constant 9 : i32
        %dma_start3A_1120 = arith.constant 0 : i32
        %dma_start3A_1121 = arith.constant 0 : i32
        %dma_start3A_1122 = tpu.memref_slice %arg7[%dma_start3A_1119, %dma_start3A_1120, %dma_start3A_1121] : memref<16x50x32xf32, #tpu.memory_space<vmem>> -> memref<1x50x32xf32, #tpu.memory_space<vmem>>
        %dma_start3A_1123 = tpu.memref_squeeze %dma_start3A_1122 : memref<1x50x32xf32, #tpu.memory_space<vmem>> -> memref<50x32xf32, #tpu.memory_space<vmem>>
        %dma_start3A_1124 = arith.constant 0 : i32
        %dma_start3A_1125 = tpu.memref_slice %arg6[%add3A_1118, %dma_start3A_1124] : memref<512x50xi32, #tpu.memory_space<vmem>> -> memref<1x50xi32, #tpu.memory_space<vmem>>
        %dma_start3A_1126 = tpu.memref_squeeze %dma_start3A_1125 : memref<1x50xi32, #tpu.memory_space<vmem>> -> memref<50xi32, #tpu.memory_space<vmem>>
        %dma_start3A_1127 = arith.constant 0 : i32
        %dma_start3A_1128 = arith.constant 0 : i32
        %dma_start3A_1129 = tpu.memref_slice %arg3[%dma_start3A_1127, %dma_start3A_1128] : memref<1000000x32xf32, #tpu.memory_space<hbm>> -> memref<1000000x32xf32, #tpu.memory_space<hbm>>
        tpu.enqueue_indirect_dma source(%dma_start3A_1129 : memref<1000000x32xf32, #tpu.memory_space<hbm>>) target(%dma_start3A_1123 : memref<50x32xf32, #tpu.memory_space<vmem>>) offsets(%dma_start3A_1126 : memref<50xi32, #tpu.memory_space<vmem>>) semaphore(%arg9 : memref<!tpu.dma_semaphore, #tpu.memory_space<semaphore_mem>>)
        %mul3A_1130 = arith.constant 16 : i32
        %mul3A_1131 = arith.muli %add3A_979, %mul3A_1130 : i32
        %add3A_1132 = arith.constant 10 : i32
        %add3A_1133 = arith.addi %mul3A_1131, %add3A_1132 : i32
        %dma_start3A_1134 = arith.constant 10 : i32
        %dma_start3A_1135 = arith.constant 0 : i32
        %dma_start3A_1136 = arith.constant 0 : i32
        %dma_start3A_1137 = tpu.memref_slice %arg7[%dma_start3A_1134, %dma_start3A_1135, %dma_start3A_1136] : memref<16x50x32xf32, #tpu.memory_space<vmem>> -> memref<1x50x32xf32, #tpu.memory_space<vmem>>
        %dma_start3A_1138 = tpu.memref_squeeze %dma_start3A_1137 : memref<1x50x32xf32, #tpu.memory_space<vmem>> -> memref<50x32xf32, #tpu.memory_space<vmem>>
        %dma_start3A_1139 = arith.constant 0 : i32
        %dma_start3A_1140 = tpu.memref_slice %arg6[%add3A_1133, %dma_start3A_1139] : memref<512x50xi32, #tpu.memory_space<vmem>> -> memref<1x50xi32, #tpu.memory_space<vmem>>
        %dma_start3A_1141 = tpu.memref_squeeze %dma_start3A_1140 : memref<1x50xi32, #tpu.memory_space<vmem>> -> memref<50xi32, #tpu.memory_space<vmem>>
        %dma_start3A_1142 = arith.constant 0 : i32
        %dma_start3A_1143 = arith.constant 0 : i32
        %dma_start3A_1144 = tpu.memref_slice %arg3[%dma_start3A_1142, %dma_start3A_1143] : memref<1000000x32xf32, #tpu.memory_space<hbm>> -> memref<1000000x32xf32, #tpu.memory_space<hbm>>
        tpu.enqueue_indirect_dma source(%dma_start3A_1144 : memref<1000000x32xf32, #tpu.memory_space<hbm>>) target(%dma_start3A_1138 : memref<50x32xf32, #tpu.memory_space<vmem>>) offsets(%dma_start3A_1141 : memref<50xi32, #tpu.memory_space<vmem>>) semaphore(%arg9 : memref<!tpu.dma_semaphore, #tpu.memory_space<semaphore_mem>>)
        %mul3A_1145 = arith.constant 16 : i32
        %mul3A_1146 = arith.muli %add3A_979, %mul3A_1145 : i32
        %add3A_1147 = arith.constant 11 : i32
        %add3A_1148 = arith.addi %mul3A_1146, %add3A_1147 : i32
        %dma_start3A_1149 = arith.constant 11 : i32
        %dma_start3A_1150 = arith.constant 0 : i32
        %dma_start3A_1151 = arith.constant 0 : i32
        %dma_start3A_1152 = tpu.memref_slice %arg7[%dma_start3A_1149, %dma_start3A_1150, %dma_start3A_1151] : memref<16x50x32xf32, #tpu.memory_space<vmem>> -> memref<1x50x32xf32, #tpu.memory_space<vmem>>
        %dma_start3A_1153 = tpu.memref_squeeze %dma_start3A_1152 : memref<1x50x32xf32, #tpu.memory_space<vmem>> -> memref<50x32xf32, #tpu.memory_space<vmem>>
        %dma_start3A_1154 = arith.constant 0 : i32
        %dma_start3A_1155 = tpu.memref_slice %arg6[%add3A_1148, %dma_start3A_1154] : memref<512x50xi32, #tpu.memory_space<vmem>> -> memref<1x50xi32, #tpu.memory_space<vmem>>
        %dma_start3A_1156 = tpu.memref_squeeze %dma_start3A_1155 : memref<1x50xi32, #tpu.memory_space<vmem>> -> memref<50xi32, #tpu.memory_space<vmem>>
        %dma_start3A_1157 = arith.constant 0 : i32
        %dma_start3A_1158 = arith.constant 0 : i32
        %dma_start3A_1159 = tpu.memref_slice %arg3[%dma_start3A_1157, %dma_start3A_1158] : memref<1000000x32xf32, #tpu.memory_space<hbm>> -> memref<1000000x32xf32, #tpu.memory_space<hbm>>
        tpu.enqueue_indirect_dma source(%dma_start3A_1159 : memref<1000000x32xf32, #tpu.memory_space<hbm>>) target(%dma_start3A_1153 : memref<50x32xf32, #tpu.memory_space<vmem>>) offsets(%dma_start3A_1156 : memref<50xi32, #tpu.memory_space<vmem>>) semaphore(%arg9 : memref<!tpu.dma_semaphore, #tpu.memory_space<semaphore_mem>>)
        %mul3A_1160 = arith.constant 16 : i32
        %mul3A_1161 = arith.muli %add3A_979, %mul3A_1160 : i32
        %add3A_1162 = arith.constant 12 : i32
        %add3A_1163 = arith.addi %mul3A_1161, %add3A_1162 : i32
        %dma_start3A_1164 = arith.constant 12 : i32
        %dma_start3A_1165 = arith.constant 0 : i32
        %dma_start3A_1166 = arith.constant 0 : i32
        %dma_start3A_1167 = tpu.memref_slice %arg7[%dma_start3A_1164, %dma_start3A_1165, %dma_start3A_1166] : memref<16x50x32xf32, #tpu.memory_space<vmem>> -> memref<1x50x32xf32, #tpu.memory_space<vmem>>
        %dma_start3A_1168 = tpu.memref_squeeze %dma_start3A_1167 : memref<1x50x32xf32, #tpu.memory_space<vmem>> -> memref<50x32xf32, #tpu.memory_space<vmem>>
        %dma_start3A_1169 = arith.constant 0 : i32
        %dma_start3A_1170 = tpu.memref_slice %arg6[%add3A_1163, %dma_start3A_1169] : memref<512x50xi32, #tpu.memory_space<vmem>> -> memref<1x50xi32, #tpu.memory_space<vmem>>
        %dma_start3A_1171 = tpu.memref_squeeze %dma_start3A_1170 : memref<1x50xi32, #tpu.memory_space<vmem>> -> memref<50xi32, #tpu.memory_space<vmem>>
        %dma_start3A_1172 = arith.constant 0 : i32
        %dma_start3A_1173 = arith.constant 0 : i32
        %dma_start3A_1174 = tpu.memref_slice %arg3[%dma_start3A_1172, %dma_start3A_1173] : memref<1000000x32xf32, #tpu.memory_space<hbm>> -> memref<1000000x32xf32, #tpu.memory_space<hbm>>
        tpu.enqueue_indirect_dma source(%dma_start3A_1174 : memref<1000000x32xf32, #tpu.memory_space<hbm>>) target(%dma_start3A_1168 : memref<50x32xf32, #tpu.memory_space<vmem>>) offsets(%dma_start3A_1171 : memref<50xi32, #tpu.memory_space<vmem>>) semaphore(%arg9 : memref<!tpu.dma_semaphore, #tpu.memory_space<semaphore_mem>>)
        %mul3A_1175 = arith.constant 16 : i32
        %mul3A_1176 = arith.muli %add3A_979, %mul3A_1175 : i32
        %add3A_1177 = arith.constant 13 : i32
        %add3A_1178 = arith.addi %mul3A_1176, %add3A_1177 : i32
        %dma_start3A_1179 = arith.constant 13 : i32
        %dma_start3A_1180 = arith.constant 0 : i32
        %dma_start3A_1181 = arith.constant 0 : i32
        %dma_start3A_1182 = tpu.memref_slice %arg7[%dma_start3A_1179, %dma_start3A_1180, %dma_start3A_1181] : memref<16x50x32xf32, #tpu.memory_space<vmem>> -> memref<1x50x32xf32, #tpu.memory_space<vmem>>
        %dma_start3A_1183 = tpu.memref_squeeze %dma_start3A_1182 : memref<1x50x32xf32, #tpu.memory_space<vmem>> -> memref<50x32xf32, #tpu.memory_space<vmem>>
        %dma_start3A_1184 = arith.constant 0 : i32
        %dma_start3A_1185 = tpu.memref_slice %arg6[%add3A_1178, %dma_start3A_1184] : memref<512x50xi32, #tpu.memory_space<vmem>> -> memref<1x50xi32, #tpu.memory_space<vmem>>
        %dma_start3A_1186 = tpu.memref_squeeze %dma_start3A_1185 : memref<1x50xi32, #tpu.memory_space<vmem>> -> memref<50xi32, #tpu.memory_space<vmem>>
        %dma_start3A_1187 = arith.constant 0 : i32
        %dma_start3A_1188 = arith.constant 0 : i32
        %dma_start3A_1189 = tpu.memref_slice %arg3[%dma_start3A_1187, %dma_start3A_1188] : memref<1000000x32xf32, #tpu.memory_space<hbm>> -> memref<1000000x32xf32, #tpu.memory_space<hbm>>
        tpu.enqueue_indirect_dma source(%dma_start3A_1189 : memref<1000000x32xf32, #tpu.memory_space<hbm>>) target(%dma_start3A_1183 : memref<50x32xf32, #tpu.memory_space<vmem>>) offsets(%dma_start3A_1186 : memref<50xi32, #tpu.memory_space<vmem>>) semaphore(%arg9 : memref<!tpu.dma_semaphore, #tpu.memory_space<semaphore_mem>>)
        %mul3A_1190 = arith.constant 16 : i32
        %mul3A_1191 = arith.muli %add3A_979, %mul3A_1190 : i32
        %add3A_1192 = arith.constant 14 : i32
        %add3A_1193 = arith.addi %mul3A_1191, %add3A_1192 : i32
        %dma_start3A_1194 = arith.constant 14 : i32
        %dma_start3A_1195 = arith.constant 0 : i32
        %dma_start3A_1196 = arith.constant 0 : i32
        %dma_start3A_1197 = tpu.memref_slice %arg7[%dma_start3A_1194, %dma_start3A_1195, %dma_start3A_1196] : memref<16x50x32xf32, #tpu.memory_space<vmem>> -> memref<1x50x32xf32, #tpu.memory_space<vmem>>
        %dma_start3A_1198 = tpu.memref_squeeze %dma_start3A_1197 : memref<1x50x32xf32, #tpu.memory_space<vmem>> -> memref<50x32xf32, #tpu.memory_space<vmem>>
        %dma_start3A_1199 = arith.constant 0 : i32
        %dma_start3A_1200 = tpu.memref_slice %arg6[%add3A_1193, %dma_start3A_1199] : memref<512x50xi32, #tpu.memory_space<vmem>> -> memref<1x50xi32, #tpu.memory_space<vmem>>
        %dma_start3A_1201 = tpu.memref_squeeze %dma_start3A_1200 : memref<1x50xi32, #tpu.memory_space<vmem>> -> memref<50xi32, #tpu.memory_space<vmem>>
        %dma_start3A_1202 = arith.constant 0 : i32
        %dma_start3A_1203 = arith.constant 0 : i32
        %dma_start3A_1204 = tpu.memref_slice %arg3[%dma_start3A_1202, %dma_start3A_1203] : memref<1000000x32xf32, #tpu.memory_space<hbm>> -> memref<1000000x32xf32, #tpu.memory_space<hbm>>
        tpu.enqueue_indirect_dma source(%dma_start3A_1204 : memref<1000000x32xf32, #tpu.memory_space<hbm>>) target(%dma_start3A_1198 : memref<50x32xf32, #tpu.memory_space<vmem>>) offsets(%dma_start3A_1201 : memref<50xi32, #tpu.memory_space<vmem>>) semaphore(%arg9 : memref<!tpu.dma_semaphore, #tpu.memory_space<semaphore_mem>>)
        %mul3A_1205 = arith.constant 16 : i32
        %mul3A_1206 = arith.muli %add3A_979, %mul3A_1205 : i32
        %add3A_1207 = arith.constant 15 : i32
        %add3A_1208 = arith.addi %mul3A_1206, %add3A_1207 : i32
        %dma_start3A_1209 = arith.constant 15 : i32
        %dma_start3A_1210 = arith.constant 0 : i32
        %dma_start3A_1211 = arith.constant 0 : i32
        %dma_start3A_1212 = tpu.memref_slice %arg7[%dma_start3A_1209, %dma_start3A_1210, %dma_start3A_1211] : memref<16x50x32xf32, #tpu.memory_space<vmem>> -> memref<1x50x32xf32, #tpu.memory_space<vmem>>
        %dma_start3A_1213 = tpu.memref_squeeze %dma_start3A_1212 : memref<1x50x32xf32, #tpu.memory_space<vmem>> -> memref<50x32xf32, #tpu.memory_space<vmem>>
        %dma_start3A_1214 = arith.constant 0 : i32
        %dma_start3A_1215 = tpu.memref_slice %arg6[%add3A_1208, %dma_start3A_1214] : memref<512x50xi32, #tpu.memory_space<vmem>> -> memref<1x50xi32, #tpu.memory_space<vmem>>
        %dma_start3A_1216 = tpu.memref_squeeze %dma_start3A_1215 : memref<1x50xi32, #tpu.memory_space<vmem>> -> memref<50xi32, #tpu.memory_space<vmem>>
        %dma_start3A_1217 = arith.constant 0 : i32
        %dma_start3A_1218 = arith.constant 0 : i32
        %dma_start3A_1219 = tpu.memref_slice %arg3[%dma_start3A_1217, %dma_start3A_1218] : memref<1000000x32xf32, #tpu.memory_space<hbm>> -> memref<1000000x32xf32, #tpu.memory_space<hbm>>
        tpu.enqueue_indirect_dma source(%dma_start3A_1219 : memref<1000000x32xf32, #tpu.memory_space<hbm>>) target(%dma_start3A_1213 : memref<50x32xf32, #tpu.memory_space<vmem>>) offsets(%dma_start3A_1216 : memref<50xi32, #tpu.memory_space<vmem>>) semaphore(%arg9 : memref<!tpu.dma_semaphore, #tpu.memory_space<semaphore_mem>>)
      } else {
      }
      %mul3A_968 = arith.constant 16 : i32
      %mul3A_969 = arith.muli %add3A_223, %mul3A_968 : i32
      %add3A_970 = arith.addi %mul3A_2, %mul3A_969 : i32
      %dma_start3A_971 = arith.constant 0 : i32
      %dma_start3A_972 = arith.constant 0 : i32
      %dma_start3A_973 = tpu.memref_slice %arg4[%add3A_970, %dma_start3A_971, %dma_start3A_972] : memref<16384x50x32xf32, #tpu.memory_space<hbm>> -> memref<16x50x32xf32, #tpu.memory_space<hbm>>
      %dma_start3A_974 = arith.constant 0 : i32
      %dma_start3A_975 = arith.constant 0 : i32
      %dma_start3A_976 = tpu.memref_slice %arg4[%add3A_970, %dma_start3A_974, %dma_start3A_975] : memref<16384x50x32xf32, #tpu.memory_space<hbm>> -> memref<16x50x32xf32, #tpu.memory_space<hbm>>
      tpu.enqueue_dma source(%arg8 : memref<16x50x32xf32, #tpu.memory_space<vmem>>) target(%dma_start3A_976 : memref<16x50x32xf32, #tpu.memory_space<hbm>>) target_semaphore(%arg11 : memref<!tpu.dma_semaphore, #tpu.memory_space<semaphore_mem>>)
      %scan3A_977 = arith.constant 0 : i32
      scf.yield %scan3A_977 : i32
    }
    %scan3A_208 = arith.constant 16 : i32
    %add3A_209 = arith.constant 496 : i32
    %add3A_210 = arith.addi %mul3A_2, %add3A_209 : i32
    %dma_wait3A = arith.constant 0 : i32
    %dma_wait3A_211 = arith.constant 0 : i32
    %dma_wait3A_212 = tpu.memref_slice %arg4[%add3A_210, %dma_wait3A, %dma_wait3A_211] : memref<16384x50x32xf32, #tpu.memory_space<hbm>> -> memref<16x50x32xf32, #tpu.memory_space<hbm>>
    %dma_wait3A_213 = arith.constant 0 : i32
    %dma_wait3A_214 = arith.constant 0 : i32
    %dma_wait3A_215 = tpu.memref_slice %arg4[%add3A_210, %dma_wait3A_213, %dma_wait3A_214] : memref<16384x50x32xf32, #tpu.memory_space<hbm>> -> memref<16x50x32xf32, #tpu.memory_space<hbm>>
    tpu.wait_dma2 semaphore(%arg11 : memref<!tpu.dma_semaphore, #tpu.memory_space<semaphore_mem>>) src(%arg8 : memref<16x50x32xf32, #tpu.memory_space<vmem>>) dst(%dma_wait3A_215 : memref<16x50x32xf32, #tpu.memory_space<hbm>>)
    return
  }
}

</mosaic_0001>

<sc_bundles>
// kernel: kernel.3.cloned.1.call-start
scs
__scs_entry_jumppad:
0x0: {  	(pc) =	sbr.rel $0x88, $3  }
0x1: {  	(tag) =	ssettag $0x0;
	lr =	simm.s32 $0x1  }
0x2: {  	[smem:$0x3F9F] =	sst lr;
	_ =	strace $0xD0000000  }
0x3: {  	_ = 	snop  }
0x4: {  	_ = 	snop  }
0x5: {  	_ = 	snop  }
0x6: {  	_ = 	snop  }
0x7: {  	_ = 	snop  }
__scs_overlays_trampoline_lowered:
0x8: {  	[smem:$0x3FAE] =	sst s0  }
0x9: {  	[smem:$0x3FAF] =	sst s1  }
0xa: {  	[smem:$0x3FB0] =	sst s2  }
0xb: {  	[smem:$0x3FB1] =	sst s3  }
0xc: {  	[smem:$0x3FB2] =	sst s4  }
0xd: {  	[smem:$0x3FB3] =	sst s5  }
0xe: {  	[smem:$0x3FB4] =	sst s6  }
0xf: {  	[smem:$0x3FB5] =	sst s7  }
0x10: {  	[smem:$0x3FB6] =	sst s8  }
0x11: {  	[smem:$0x3FB7] =	sst s9;
	s0 =	simm.s32 @!p0 $0x0  }
0x12: {  	s1 =	sld [smem:$0x3F9D];
	s0 =	simm.s32 @p0 $0x1  }
0x13: {  	[smem:$0x3FB8] =	sst s0;
	s0 =	simm.s32 @!p1 $0x0  }
0x14: {  	s2 =	sld [smem:$0x3F9C];
	s0 =	simm.s32 @p1 $0x1  }
0x15: {  	[smem:$0x3FB9] =	sst s0;
	s0 =	simm.s32 @!p2 $0x0  }
0x16: {  	s3 =	sld [smem:$0x3FDB];
	s0 =	simm.s32 @p2 $0x1  }
0x17: {  	s4 =	simm.s32 $0x1BF5;
	[smem:$0x3FBB] =	sst s0  }
0x18: {  	s0 =	sld [smem:$0x3F9E];
	_ =	swait.ge [sflag:s4], $0x0  }
0x19: {  	s7 =	sld [smem:$0x3F9F]  }
0x1a: {  	s8 =	sadd.s32 $0xFFFFE003, lr  }
0x1b: {  	s9 =	sadd.s32 $0xFFFFFEF7, lr;
	s5 =	simm.s32 $0xFFFFFFFF;
	p2 =	slt.u32 s8, $0xFFFFF086  }
0x1c: {  	p1 =	slt.u32 s9, $0xF7A;
	s5 =	simm.s32 @!p2 $0x0  }
0x1d: {  	s5 =	simm.s32 @p1 $0x1;
	p0 =	seq.s32 s7, s2  }
0x1e: {  	s7 =	smul.u32 @!p0 $0xF7A, s2;
	p2 =	seq.s32 @!p0 s5, $0x0  }
0x1f: {  	s9 =	smul.u32 $0xF7A, s1;
	s8 =	simm.s32 @!p0 $0x1BF5;
	p2 =	por !p2, p0  }
0x20: {  	[sflag:s8] =	ssyncset.s32 @!p0 $0xFFFFF086;
	s6 =	sadd.s32 @!p0 s3, s7;
	s7 =	simm.s32 @!p0 $0x108  }
0x21: {  	s3 =	sadd.s32 s3, s9;
	s6 =	sadd.s32 @!p0 $0x88, s6;
	s7 =	simm.s32 @p2 $0x1082  }
0x22: {  	[simem:s7], [sflag:s8] =	dma.local @!p0 [hbm:s6], $0xF7A  }
0x23: {  	s9 =	sor.u32 $0xD0000000, s2;
	s6 =	simm.s32 $0x108;
	_ =	swait.ge @!p0 [sflag:s8], $0x0  }
0x24: {  	s3 =	sadd.s32 $0x88, s3;
	s6 =	simm.s32 @!p1 $0x1082;
	[sflag:s4] =	ssyncset.s32 $0xFFFFF086  }
0x25: {  	[simem:s6], [sflag:s4] =	dma.local [hbm:s3], $0xF7A  }
0x26: {  	[smem:$0x3F9F] =	sst s1;
	(tag) =	ssettag s2;
	_ =	strace s9  }
0x27: {  	s1 =	sld [smem:$0x3FAF]  }
0x28: {  	s2 =	sld [smem:$0x3FB0]  }
0x29: {  	s4 =	sld [smem:$0x3FB2]  }
0x2a: {  	p0 =	seq.s32 s5, $0x0;
	s5 =	sld [smem:$0x3FB3]  }
0x2b: {  	s6 =	sld [smem:$0x3FB4]  }
0x2c: {  	s7 =	sld [smem:$0x3FB5]  }
0x2d: {  	s3 =	simm.s32 $0x108;
	s8 =	sld [smem:$0x3FB6]  }
0x2e: {  	s3 =	simm.s32 @!p0 $0x1082;
	s9 =	sld [smem:$0x3FB7]  }
0x2f: {  	lr =	sadd.s32 s0, s3;
	s0 =	sld [smem:$0x3FAE]  }
0x30: {  	s3 =	sld [smem:$0x3FB1]  }
0x31: {  	[smem:$0x3FBA] =	sst s10  }
0x32: {  	s10 =	sld [smem:$0x3FB8];
	_ =	sdelay $0x3  }
0x33: {  	p0 =	seq.s32 s10, $0x1;
	s10 =	sld [smem:$0x3FBA];
	_ =	sdelay $0x3  }
0x34: {  	[smem:$0x3FBA] =	sst s10  }
0x35: {  	s10 =	sld [smem:$0x3FB9];
	_ =	sdelay $0x3  }
0x36: {  	p1 =	seq.s32 s10, $0x1;
	s10 =	sld [smem:$0x3FBA];
	_ =	sdelay $0x3  }
0x37: {  	[smem:$0x3FBA] =	sst s10  }
0x38: {  	s10 =	sld [smem:$0x3FBB]  }
0x39: {  	_ = 	snop;
	(pc) =	sbr.ind lr, $3  }
0x3a: {  	_ = 	snop  }
0x3b: {  	_ = 	snop  }
0x3c: {  	p2 =	seq.s32 s10, $0x1;
	s10 =	sld [smem:$0x3FBA]  }
0x3d: {  	_ =	shalt  }
0x3e: {  	_ =	shalt  }
0x3f: {  	_ =	shalt  }
0x40: {  	_ =	shalt  }
0x41: {  	_ =	shalt  }
0x42: {  	_ =	shalt  }
0x43: {  	_ =	shalt  }
0x44: {  	_ =	shalt  }
0x45: {  	_ =	shalt  }
0x46: {  	_ =	shalt  }
0x47: {  	_ =	shalt  }
0x48: {  	_ =	shalt  }
0x49: {  	_ =	shalt  }
0x4a: {  	_ =	shalt  }
0x4b: {  	_ =	shalt  }
0x4c: {  	_ =	shalt  }
0x4d: {  	_ =	shalt  }
0x4e: {  	_ =	shalt  }
0x4f: {  	_ =	shalt  }
0x50: {  	_ =	shalt  }
0x51: {  	_ =	shalt  }
0x52: {  	_ =	shalt  }
0x53: {  	_ =	shalt  }
0x54: {  	_ =	shalt  }
0x55: {  	_ =	shalt  }
0x56: {  	_ =	shalt  }
0x57: {  	_ =	shalt  }
0x58: {  	_ =	shalt  }
0x59: {  	_ =	shalt  }
0x5a: {  	_ =	shalt  }
0x5b: {  	_ =	shalt  }
0x5c: {  	_ =	shalt  }
0x5d: {  	_ =	shalt  }
0x5e: {  	_ =	shalt  }
0x5f: {  	_ =	shalt  }
0x60: {  	_ =	shalt  }
0x61: {  	_ =	shalt  }
0x62: {  	_ =	shalt  }
0x63: {  	_ =	shalt  }
0x64: {  	_ =	shalt  }
0x65: {  	_ =	shalt  }
0x66: {  	_ =	shalt  }
0x67: {  	_ =	shalt  }
0x68: {  	_ =	shalt  }
0x69: {  	_ =	shalt  }
0x6a: {  	_ =	shalt  }
0x6b: {  	_ =	shalt  }
0x6c: {  	_ =	shalt  }
0x6d: {  	_ =	shalt  }
0x6e: {  	_ =	shalt  }
0x6f: {  	_ =	shalt  }
0x70: {  	_ =	shalt  }
0x71: {  	_ =	shalt  }
0x72: {  	_ =	shalt  }
0x73: {  	_ =	shalt  }
0x74: {  	_ =	shalt  }
0x75: {  	_ =	shalt  }
0x76: {  	_ =	shalt  }
0x77: {  	_ =	shalt  }
0x78: {  	_ =	shalt  }
0x79: {  	_ =	shalt  }
0x7a: {  	_ =	shalt  }
0x7b: {  	_ =	shalt  }
0x7c: {  	_ =	shalt  }
0x7d: {  	_ =	shalt  }
0x7e: {  	_ =	shalt  }
0x7f: {  	_ =	shalt  }
0x80: {  	_ =	shalt  }
0x81: {  	_ =	shalt  }
0x82: {  	_ =	shalt  }
0x83: {  	_ =	shalt  }
0x84: {  	_ =	shalt  }
0x85: {  	_ =	shalt  }
0x86: {  	_ =	shalt  }
0x87: {  	_ =	shalt  }
.Lfunc_end0:
.L_simem_size_0:
called_computation.1_lowered:
.L_overlay_start_0:
0x88: {  	s2 =	sld [smem:$0x3FD9]  }
0x89: {  	s3 =	sld [smem:$0x3FFE];
	_ =	sdelay $0x1  }
0x8a: {  	s1 =	srdreg.scid  }
0x8b: {  	s0 =	sand.u32 $0x1, s1  }
0x8c: {  	s17 =	sshll.u32 s0, $0xA;
	s2 =	sadd.s32 s3, s2  }
0x8d: {  	s2 =	sadd.s32 s2, s17  }
0x8e: {  	[smem:$0x3FC6] =	sst s2  }
0x8f: {  	_ = 	snop  }
0x90: {  	s2 =	sld [smem:$0x3FD0];
	(tm) =	ssettm $0x1  }
0x91: {  	s18 =	sld [smem:$0x3FFB];
	_ =	sdelay $0x3  }
0x92: {  	_ =	strace s18  }
0x93: {  	s3 =	sld [smem:$0x3FFC];
	_ =	sdelay $0x3  }
0x94: {  	_ =	strace s3  }
0x95: {  	s3 =	sld [smem:$0x3FFD];
	_ =	sdelay $0x3  }
0x96: {  	_ =	strace s3  }
0x97: {  	_ =	strace $0x8FFFFFFF  }
0x98: {  	s19 =	sld [smem:$0x3FDB];
	_ =	sdelay $0x1  }
0x99: {  	s4 =	simm.s32 $_scs_section_size  }
0x9a: {  	s5 =	simm.s32 $_size__tile_overlayer_lowered;
	s6 =	simm.s32 $_tile_overlayer_lowered  }
0x9b: {  	s22 =	simm.s32 $0x1BFF;
	s21 =	sshll.u32 s6, $0x1;
	s3 =	sadd.s32 s4, s19  }
0x9c: {  	s7 =	simm.s32 $0x0;
	s20 =	sshll.u32 s5, $0x1;
	s5 =	sadd.s32 s21, s3  }
0x9d: {  	[timem:s7], [sflag:s22] =	dma.local [hbm:s5], s20  }
0x9e: {  	_ =	swait.ge [sflag:s22], s20  }
0x9f: {  	s4 =	ssub.s32 $0x0, s20;
	[sflag:s22] =	ssyncset.done $0x0  }
0xa0: {  	[sflag:s22] =	ssyncadd.s32 s4;
	_ =	sdelay $0x1  }
0xa1: {  	s23 =	simm.s32 $0x1B8B  }
0xa2: {  	_ =	swait.ge [sflag:s23], $0x1  }
0xa3: {  	[sflag:s23] =	ssyncset.done $0x0  }
0xa4: {  	s25 =	simm.s32 $0x1B8E;
	s24 =	sld [smem:$0x3FFE];
	[sflag:s23] =	ssyncadd.s32 $0xFFFFFFFF  }
0xa5: {  	s26 =	simm.s32 $execute0_lowered;
	[smem:$0x3FD2] =	sst s25  }
0xa6: {  	s5 =	sshll.u32 s26, $0x1;
	_ =	strace $0x80000046;
	[dreg:$0x1] =	wrdreg $0xFFFFFFFF  }
0xa7: {  	s28 =	simm.s32 $_size_execute0_lowered;
	s3 =	sadd.s32 s3, s5;
	[dreg:$0x0] =	wrdreg $0x0  }
0xa8: {  	s5 =	sshll.u32 s28, $0x1;
	[dreg:$0x2] =	wrdreg s3  }
0xa9: {  	[dreg:$0x3] =	wrdreg s5  }
0xaa: {  	[dreg:$0x4] =	wrdreg $0xC0  }
0xab: {  	_ =	task [dreg:s7], $0x5FFFF  }
0xac: {  	[dreg:$0x1] =	wrdreg $0xFFFFFFFF  }
0xad: {  	[dreg:$0x0] =	wrdreg $0x60  }
0xae: {  	[dreg:$0x2] =	wrdreg s24  }
0xaf: {  	[dreg:$0x3] =	wrdreg s2  }
0xb0: {  	[dreg:$0x4] =	wrdreg $0x9  }
0xb1: {  	_ =	task.clear_ibuf [dreg:s7], $0x5FFFF;
	_ =	strace $0x90000046  }
0xb2: {  	s29 =	simm.s32 $0x9;
	_ =	strace $0x80000048  }
0xb3: {  	_ =	swait.ge [sflag:s29], $0x1  }
0xb4: {  	[sflag:s29] =	ssyncadd.s32 $0xFFFFFFFF  }
0xb5: {  	_ =	strace $0x90000048  }
0xb6: {  	_ =	sfence  }
0xb7: {  	s30 =	sld [smem:$0x0];
	_ =	sdelay $0x2  }
0xb8: {  	s31 =	sshll.u32 s1, $0xD;
	s1 =	sshrl.u32 s1, $0x2  }
0xb9: {  	s3 =	sand.u32 $0x4000, s31;
	s1 =	sadd.s32 s1, s30  }
0xba: {  	s0 =	sor.u32 s3, s0;
	s1 =	sshll.u32 s1, $0x11  }
0xbb: {  	s0 =	sor.u32 s1, s0  }
0xbc: {  	s0 =	sadd.s32 $0x8F2B, s0  }
0xbd: {  	[sflag:s0] =	ssyncadd.remote.s32 $0x1  }
0xbe: {  	_ =	sfence.sel $0xFFFF  }
0xbf: {  	[dreg:$0x0] =	wrdreg $0xFFFFFFFF;
	(pc) =	sbr.abs _section_cstart, $3  }
0xc0: {  	[dreg:$0x1] =	wrdreg $0xFFFFFFFF  }
0xc1: {  	_ =	task.clear_ibuf [dreg:s7], $0x2FFFF;
	_ =	strace $0x9FFFFFFF  }
0xc2: {  	(tm) =	ssettm $0x7FFFFFFF  }
0xc3: {  	_ =	shalt  }
tec
execute0_lowered:
.L_overlay_start_1:
0x0: {  	(tag) =	ssettag $0x1  }
0x1: {  	s0 =	rddreg [dreg:$0x0]  }
0x2: {  	s4 =	rddreg [dreg:$0x1];
	s2 =	simm.s32 $0x0  }
0x3: {  	s16 =	simm.s32 $0x13E40;
	[smem:$0x7FF] =	sst s2  }
0x4: {  	s17 =	simm.s32 $0x14480;
	_ =	strace $0x80000047;
	[dreg:$0x3] =	wrdreg s16  }
0x5: {  	s18 =	simm.s32 $0x14AC0;
	[dreg:$0x4] =	wrdreg s17  }
0x6: {  	s19 =	simm.s32 $0x15100;
	[dreg:$0x5] =	wrdreg s18  }
0x7: {  	s20 =	simm.s32 $0x15740;
	[dreg:$0x6] =	wrdreg s19  }
0x8: {  	s1 =	srdreg.scid;
	s21 =	simm.s32 $0x15D80;
	[dreg:$0x7] =	wrdreg s20  }
0x9: {  	s6 =	stileid.u32;
	s22 =	simm.s32 $0x163C0;
	[dreg:$0x8] =	wrdreg s21  }
0xa: {  	s9 =	simm.s32 $0x32;
	s23 =	simm.s32 $0x16A00;
	[dreg:$0x9] =	wrdreg s22  }
0xb: {  	s10 =	simm.s32 $0xD400;
	s24 =	simm.s32 $0x17040;
	[dreg:$0xa] =	wrdreg s23  }
0xc: {  	s25 =	simm.s32 $0x17680;
	s26 =	simm.s32 $0x17CC0;
	[dreg:$0xb] =	wrdreg s24  }
0xd: {  	s28 =	simm.s32 $0x18300;
	s29 =	simm.s32 $0x18940;
	[dreg:$0xc] =	wrdreg s25  }
0xe: {  	s30 =	simm.s32 $0x18F80;
	s31 =	simm.s32 $0x195C0;
	[dreg:$0xd] =	wrdreg s26  }
0xf: {  	s1 =	sand.u32 $0x1, s1;
	s3 =	sshll.u32 s6, $0x1;
	[dreg:$0xe] =	wrdreg s28  }
0x10: {  	s6 =	smul.u32 $0x32000, s6;
	s3 =	sor.u32 s1, s3;
	[dreg:$0xf] =	wrdreg s29  }
0x11: {  	s5 =	ssub.s32 $0x2, s1;
	s1 =	smul.u32 $0x19000, s1;
	[dreg:$0x10] =	wrdreg s30  }
0x12: {  	[dreg:$0x11] =	wrdreg s31;
	s16 =	simm.s32 $0x12B80;
	s17 =	simm.s32 $0x6748  }
0x13: {  	s18 =	simm.s32 $0x131C0;
	s19 =	simm.s32 $0x1;
	s20 =	simm.s32 $0x13800  }
0x14: {  	s21 =	simm.s32 $0x2;
	s22 =	simm.s32 $0x3;
	s23 =	simm.s32 $0x0  }
0x15: {  	s3 =	smul.u32 $0xC80, s3;
	s8 =	sshrl.u32 s5, $0x1;
	s6 =	sadd.s32 s6, s4  }
0x16: {  	v0 =	vlaneseq.u32;
	s15 =	ssub.s32 s5, s8;
	s6 =	sadd.s32 s1, s6;
	s8 =	simm.s32 $0x6400  }
0x17: {  	v1 =	vshrl.u32 v0, $0x3;
	s7 =	sadd.s32 s3, s0;
	s3 =	sadd.s32 $0xF42E00, s0;
	s5 =	smax.u32 s15, $0x1  }
0x18: {  	v3 =	vimm.s32 $0x0;
	v2 =	vand.u32 $0x7, v0;
	v1 =	vmul.u32 $0x8, v1;
	s15 =	simm.s32 $0x6710;
	s4 =	sadd.s32 $0xA00, s7;
	s7 =	simm.s32 $0x4  }
.LBB2_1:
0x19: {  	v4 =	vor.u32 s2, v0  }
0x1a: {  	v5 =	vmulhi.u32 $0x51EB851F, v4;
	_ =	sdelay $0x1  }
0x1b: {  	v6 =	vshrl.u32 v5, $0x4  }
0x1c: {  	v5 =	vmul.u32 $0xFFFFFFCE, v6  }
0x1d: {  	s25 =	simm.s32 $0x10  }
0x1e: {  	v7 =	vmov s2;
	v8 =	vor.u32 s25, v0;
	v9 =	vadd.s32 v4, v5  }
0x1f: {  	vm0 =	veq.s32 v7, v0;
	v4 =	vand.u32 $0x7FF8, v7;
	vm1 =	vne.s32 v9, $0x0  }
0x20: {  	v5 =	vmulhi.u32 $0x51EB851F, v8;
	v4 =	vor.u32 v1, v4;
	vm0 =	vmand vm0, vm1  }
0x21: {  	v7 =	vor.u32 v2, v4;
	v4 =	vsel vm0, $0xFFFFFFFF, v3  }
0x22: {  	[tilespmem:s2], [sflag:$0x4] =	stream.linear.gather [hbm4b:s4+s2], $0x6400, $0x38;
	v10 =	vmov s25;
	v5 =	vshrl.u32 v5, $0x4;
	v6 =	vadd.s32 v4, v6;
	[tilespmem:$0x19C00] =	vst v63  }
0x23: {  	s24 =	simm.s32 $0x20;
	_ =	swait.ge [sflag:s7], $0x6400;
	v13 =	vand.u32 $0x7FF8, v10;
	v11 =	vmul.u32 $0xFFFFFFCE, v5;
	v12 =	vmul.u32 $0x38, v6  }
0x24: {  	[sflag:s7] =	ssyncset.done $0x0;
	vm0 =	veq.s32 v10, v0;
	v10 =	vand.u32 $0x38, v9;
	v4 =	vor.u32 s24, v0  }
0x25: {  	[sflag:s7] =	ssyncadd.s32 $0xFFFF9C00;
	v6 =	vadd.s32 v8, v11;
	v8 =	vand.u32 $0x7, v9;
	v10 =	vadd.s32 v10, v12  }
0x26: {  	s25 =	simm.s32 $0x30;
	v9 =	vor.u32 v1, v13;
	vm1 =	vne.s32 v6, $0x0;
	v7 =	vld.idx.msk [tilespmem:v7+s2+$0x0], $0xffff;
	v8 =	vor.u32 v8, v10  }
.LBB2_2:
0x27: {  	p0 =	sne.s32 s25, $0x63F0;
	v10 =	vmulhi.u32 $0x51EB851F, v4;
	v9 =	vor.u32 v2, v9;
	vm0 =	vmand vm0, vm1  }
0x28: {  	v11 =	vsel vm0, $0xFFFFFFFF, v3  }
.Ltmp0:
0x29: {  	v12 =	vmov s24;
	s24 =	smov.u32 s25;
	v11 =	vadd.s32 v11, v5;
	v5 =	vshrl.u32 v10, $0x4;
	(pc) =	sbr.rel @p0 .LBB2_2-.Ltmp0, $4  }
0x2a: {  	v10 =	vor.u32 s25, v0;
	v13 =	vmul.u32 $0xFFFFFFCE, v5;
	v11 =	vmul.u32 $0x38, v11  }
0x2b: {  	v14 =	vand.u32 $0x7FF8, v12;
	vm0 =	veq.s32 v12, v0;
	v12 =	vand.u32 $0x38, v6;
	[tilespmem:v8+s8+$0x0] =	vst.idx.msk $0xffff, v7  }
0x2c: {  	v8 =	vand.u32 $0x7, v6;
	v7 =	vld.idx.msk [tilespmem:v9+s2+$0x0], $0xffff;
	v6 =	vadd.s32 v4, v13;
	v11 =	vadd.s32 v12, v11;
	v4 =	vmovc v10  }
0x2d: {  	s25 =	sadd.s32 $0x10, s25;
	v9 =	vor.u32 v1, v14;
	vm1 =	vne.s32 v6, $0x0;
	v8 =	vor.u32 v8, v11  }
0x2e: {  	v10 =	vmulhi.u32 $0x51EB851F, v4  }
0x2f: {  	vm0 =	vmand vm0, vm1  }
0x30: {  	v9 =	vor.u32 v2, v9;
	v11 =	vsel vm0, $0xFFFFFFFF, v3;
	v10 =	vshrl.u32 v10, $0x4  }
0x31: {  	v5 =	vadd.s32 v11, v5;
	v57 =	vmul.u32 $0xFFFFFFCE, v10  }
0x32: {  	v12 =	vmov s24;
	v58 =	vand.u32 $0x38, v6;
	v5 =	vmul.u32 $0x38, v5  }
0x33: {  	v59 =	vand.u32 $0x7, v6;
	v13 =	vand.u32 $0x7FF8, v12;
	v4 =	vadd.s32 v4, v57  }
0x34: {  	vm14 =	veq.s32 v12, v0;
	[tilespmem:v8+s8+$0x0] =	vst.idx.msk $0xffff, v7;
	v5 =	vadd.s32 v58, v5;
	vm15 =	vne.s32 v4, $0x0  }
0x35: {  	v60 =	vor.u32 v1, v13;
	v7 =	vld.idx.msk [tilespmem:v9+s2+$0x0], $0xffff;
	v5 =	vor.u32 v59, v5;
	vm0 =	vmand vm14, vm15  }
0x36: {  	v61 =	vor.u32 v2, v60;
	v62 =	vsel vm0, $0xFFFFFFFF, v3  }
0x37: {  	v8 =	vadd.s32 v62, v10  }
0x38: {  	v8 =	vmul.u32 $0x38, v8  }
0x39: {  	v63 =	vand.u32 $0x38, v4  }
0x3a: {  	v4 =	vand.u32 $0x7, v4;
	[tilespmem:v5+s8+$0x0] =	vst.idx.msk $0xffff, v7;
	v5 =	vadd.s32 v63, v8  }
0x3b: {  	v6 =	vld.idx.msk [tilespmem:v61+s2+$0x0], $0xffff;
	v4 =	vor.u32 v4, v5;
	_ =	sdelay $0x4  }
0x3c: {  	[tilespmem:v4+s8+$0x0] =	vst.idx.msk $0xffff, v6  }
0x3d: {  	[tilespmem:s10], [sflag:$0x1] =	stream.indirect.gather [hbm4b:s3+s9], $0x20, s8, s9, $0xb8;
	[tilespmem:$0x19C00] =	vst v63  }
0x3e: {  	s0 =	simm.s32 $0x6438;
	s1 =	simm.s32 $0xDA40  }
0x3f: {  	[tilespmem:s1], [sflag:$0x1] =	stream.indirect.gather [hbm4b:s3+s9], $0x20, s0, s9, $0xb8;
	[tilespmem:$0x19C00] =	vst v63  }
0x40: {  	s11 =	simm.s32 $0xE080;
	s1 =	simm.s32 $0x6470  }
0x41: {  	[tilespmem:s11], [sflag:$0x1] =	stream.indirect.gather [hbm4b:s3+s9], $0x20, s1, s9, $0xb8;
	[tilespmem:$0x19C00] =	vst v63  }
0x42: {  	s12 =	simm.s32 $0x64A8;
	s13 =	simm.s32 $0xE6C0  }
0x43: {  	[tilespmem:s13], [sflag:$0x1] =	stream.indirect.gather [hbm4b:s3+s9], $0x20, s12, s9, $0xb8;
	[tilespmem:$0x19C00] =	vst v63  }
0x44: {  	s14 =	simm.s32 $0x64E0;
	s24 =	simm.s32 $0xED00  }
0x45: {  	[tilespmem:s24], [sflag:$0x1] =	stream.indirect.gather [hbm4b:s3+s9], $0x20, s14, s9, $0xb8;
	[tilespmem:$0x19C00] =	vst v63  }
0x46: {  	s25 =	simm.s32 $0x6518;
	s26 =	simm.s32 $0xF340  }
0x47: {  	[tilespmem:s26], [sflag:$0x1] =	stream.indirect.gather [hbm4b:s3+s9], $0x20, s25, s9, $0xb8;
	[tilespmem:$0x19C00] =	vst v63  }
0x48: {  	s28 =	simm.s32 $0x6550;
	s29 =	simm.s32 $0xF980  }
0x49: {  	[tilespmem:s29], [sflag:$0x1] =	stream.indirect.gather [hbm4b:s3+s9], $0x20, s28, s9, $0xb8;
	[tilespmem:$0x19C00] =	vst v63  }
0x4a: {  	s30 =	simm.s32 $0x6588;
	s31 =	simm.s32 $0xFFC0  }
0x4b: {  	[tilespmem:s31], [sflag:$0x1] =	stream.indirect.gather [hbm4b:s3+s9], $0x20, s30, s9, $0xb8;
	[tilespmem:$0x19C00] =	vst v63  }
0x4c: {  	s1 =	simm.s32 $0x65C0;
	s11 =	simm.s32 $0x10600  }
0x4d: {  	[tilespmem:s11], [sflag:$0x1] =	stream.indirect.gather [hbm4b:s3+s9], $0x20, s1, s9, $0xb8;
	[tilespmem:$0x19C00] =	vst v63  }
0x4e: {  	s12 =	simm.s32 $0x65F8;
	s13 =	simm.s32 $0x10C40  }
0x4f: {  	[tilespmem:s13], [sflag:$0x1] =	stream.indirect.gather [hbm4b:s3+s9], $0x20, s12, s9, $0xb8;
	[tilespmem:$0x19C00] =	vst v63  }
0x50: {  	s14 =	simm.s32 $0x6630;
	s24 =	simm.s32 $0x11280  }
0x51: {  	[tilespmem:s24], [sflag:$0x1] =	stream.indirect.gather [hbm4b:s3+s9], $0x20, s14, s9, $0xb8;
	[tilespmem:$0x19C00] =	vst v63  }
0x52: {  	s25 =	simm.s32 $0x6668;
	s26 =	simm.s32 $0x118C0  }
0x53: {  	[tilespmem:s26], [sflag:$0x1] =	stream.indirect.gather [hbm4b:s3+s9], $0x20, s25, s9, $0xb8;
	[tilespmem:$0x19C00] =	vst v63  }
0x54: {  	s28 =	simm.s32 $0x66A0;
	s29 =	simm.s32 $0x11F00  }
0x55: {  	[tilespmem:s29], [sflag:$0x1] =	stream.indirect.gather [hbm4b:s3+s9], $0x20, s28, s9, $0xb8;
	[tilespmem:$0x19C00] =	vst v63  }
0x56: {  	s30 =	simm.s32 $0x66D8;
	s31 =	simm.s32 $0x12540  }
0x57: {  	[tilespmem:s31], [sflag:$0x1] =	stream.indirect.gather [hbm4b:s3+s9], $0x20, s30, s9, $0xb8;
	[tilespmem:$0x19C00] =	vst v63  }
0x58: {  	_ = 	snop  }
0x59: {  	[tilespmem:s16], [sflag:$0x1] =	stream.indirect.gather [hbm4b:s3+s9], $0x20, s15, s9, $0xb8;
	[tilespmem:$0x19C00] =	vst v63  }
0x5a: {  	_ = 	snop  }
0x5b: {  	[tilespmem:s18], [sflag:$0x1] =	stream.indirect.gather [hbm4b:s3+s9], $0x20, s17, s9, $0xb8;
	[tilespmem:$0x19C00] =	vst v63  }
0x5c: {  	_ =	swait.ge [sflag:s19], $0x640  }
0x5d: {  	[sflag:s19] =	ssyncset.done $0x0  }
0x5e: {  	[sflag:s19] =	ssyncadd.s32 $0xFFFFF9C0  }
0x5f: {  	_ =	swait.ge [sflag:s19], $0x640  }
0x60: {  	[sflag:s19] =	ssyncset.done $0x0  }
0x61: {  	[sflag:s19] =	ssyncadd.s32 $0xFFFFF9C0  }
0x62: {  	_ =	swait.ge [sflag:s19], $0x640  }
0x63: {  	[sflag:s19] =	ssyncset.done $0x0  }
0x64: {  	[sflag:s19] =	ssyncadd.s32 $0xFFFFF9C0  }
0x65: {  	_ =	swait.ge [sflag:s19], $0x640  }
0x66: {  	[sflag:s19] =	ssyncset.done $0x0  }
0x67: {  	[sflag:s19] =	ssyncadd.s32 $0xFFFFF9C0  }
0x68: {  	_ =	swait.ge [sflag:s19], $0x640  }
0x69: {  	[sflag:s19] =	ssyncset.done $0x0  }
0x6a: {  	[sflag:s19] =	ssyncadd.s32 $0xFFFFF9C0  }
0x6b: {  	_ =	swait.ge [sflag:s19], $0x640  }
0x6c: {  	[sflag:s19] =	ssyncset.done $0x0  }
0x6d: {  	[sflag:s19] =	ssyncadd.s32 $0xFFFFF9C0  }
0x6e: {  	_ =	swait.ge [sflag:s19], $0x640  }
0x6f: {  	[sflag:s19] =	ssyncset.done $0x0  }
0x70: {  	[sflag:s19] =	ssyncadd.s32 $0xFFFFF9C0  }
0x71: {  	_ =	swait.ge [sflag:s19], $0x640  }
0x72: {  	[sflag:s19] =	ssyncset.done $0x0  }
0x73: {  	[sflag:s19] =	ssyncadd.s32 $0xFFFFF9C0  }
0x74: {  	_ =	swait.ge [sflag:s19], $0x640  }
0x75: {  	[sflag:s19] =	ssyncset.done $0x0  }
0x76: {  	[sflag:s19] =	ssyncadd.s32 $0xFFFFF9C0  }
0x77: {  	_ =	swait.ge [sflag:s19], $0x640  }
0x78: {  	[sflag:s19] =	ssyncset.done $0x0  }
0x79: {  	[sflag:s19] =	ssyncadd.s32 $0xFFFFF9C0  }
0x7a: {  	_ =	swait.ge [sflag:s19], $0x640  }
0x7b: {  	[sflag:s19] =	ssyncset.done $0x0  }
0x7c: {  	[sflag:s19] =	ssyncadd.s32 $0xFFFFF9C0  }
0x7d: {  	_ =	swait.ge [sflag:s19], $0x640  }
0x7e: {  	[sflag:s19] =	ssyncset.done $0x0  }
0x7f: {  	[sflag:s19] =	ssyncadd.s32 $0xFFFFF9C0  }
0x80: {  	_ =	swait.ge [sflag:s19], $0x640  }
0x81: {  	[sflag:s19] =	ssyncset.done $0x0  }
0x82: {  	[sflag:s19] =	ssyncadd.s32 $0xFFFFF9C0  }
0x83: {  	_ =	swait.ge [sflag:s19], $0x640  }
0x84: {  	[sflag:s19] =	ssyncset.done $0x0  }
0x85: {  	[sflag:s19] =	ssyncadd.s32 $0xFFFFF9C0  }
0x86: {  	_ =	swait.ge [sflag:s19], $0x640  }
0x87: {  	[sflag:s19] =	ssyncset.done $0x0  }
0x88: {  	[sflag:s19] =	ssyncadd.s32 $0xFFFFF9C0  }
0x89: {  	_ =	swait.ge [sflag:s19], $0x640  }
0x8a: {  	p0 =	por $0x1, $0x1;
	[sflag:s19] =	ssyncset.done $0x0  }
0x8b: {  	s24 =	simm.s32 @!p0 $0x3;
	[sflag:s19] =	ssyncadd.s32 $0xFFFFF9C0  }
0x8c: {  	_ =	swait.ge @!p0 [sflag:s24], $0x6400  }
0x8d: {  	[sflag:s24] =	ssyncset.done @!p0 $0x0  }
0x8e: {  	s11 =	simm.s32 $0x6780;
	[sflag:s24] =	ssyncadd.s32 @!p0 $0xFFFF9C00  }
0x8f: {  	[tilespmem:s20], [sflag:$0x1] =	stream.indirect.gather [hbm4b:s3+s9], $0x20, s11, s9, $0xb8;
	[tilespmem:$0x19C00] =	vst v63  }
0x90: {  	s12 =	simm.s32 $0x67B8;
	s25 =	rddreg [dreg:$0x3]  }
0x91: {  	[tilespmem:s25], [sflag:$0x1] =	stream.indirect.gather [hbm4b:s3+s9], $0x20, s12, s9, $0xb8;
	[tilespmem:$0x19C00] =	vst v63  }
0x92: {  	s13 =	simm.s32 $0x67F0;
	s26 =	rddreg [dreg:$0x4]  }
0x93: {  	[tilespmem:s26], [sflag:$0x1] =	stream.indirect.gather [hbm4b:s3+s9], $0x20, s13, s9, $0xb8;
	[tilespmem:$0x19C00] =	vst v63  }
0x94: {  	s28 =	simm.s32 $0x6828;
	s14 =	rddreg [dreg:$0x5]  }
0x95: {  	[tilespmem:s14], [sflag:$0x1] =	stream.indirect.gather [hbm4b:s3+s9], $0x20, s28, s9, $0xb8;
	[tilespmem:$0x19C00] =	vst v63  }
0x96: {  	s30 =	simm.s32 $0x6860;
	s29 =	rddreg [dreg:$0x6]  }
0x97: {  	[tilespmem:s29], [sflag:$0x1] =	stream.indirect.gather [hbm4b:s3+s9], $0x20, s30, s9, $0xb8;
	[tilespmem:$0x19C00] =	vst v63  }
0x98: {  	s0 =	simm.s32 $0x6898;
	s31 =	rddreg [dreg:$0x7]  }
0x99: {  	[tilespmem:s31], [sflag:$0x1] =	stream.indirect.gather [hbm4b:s3+s9], $0x20, s0, s9, $0xb8;
	[tilespmem:$0x19C00] =	vst v63  }
0x9a: {  	s1 =	rddreg [dreg:$0x8];
	s11 =	simm.s32 $0x68D0  }
0x9b: {  	[tilespmem:s1], [sflag:$0x1] =	stream.indirect.gather [hbm4b:s3+s9], $0x20, s11, s9, $0xb8;
	[tilespmem:$0x19C00] =	vst v63  }
0x9c: {  	s12 =	rddreg [dreg:$0x9];
	s13 =	simm.s32 $0x6908  }
0x9d: {  	[tilespmem:s12], [sflag:$0x1] =	stream.indirect.gather [hbm4b:s3+s9], $0x20, s13, s9, $0xb8;
	[tilespmem:$0x19C00] =	vst v63  }
0x9e: {  	s14 =	rddreg [dreg:$0xa];
	s28 =	simm.s32 $0x6940  }
0x9f: {  	[tilespmem:s14], [sflag:$0x1] =	stream.indirect.gather [hbm4b:s3+s9], $0x20, s28, s9, $0xb8;
	[tilespmem:$0x19C00] =	vst v63  }
0xa0: {  	s29 =	rddreg [dreg:$0xb];
	s30 =	simm.s32 $0x6978  }
0xa1: {  	[tilespmem:s29], [sflag:$0x1] =	stream.indirect.gather [hbm4b:s3+s9], $0x20, s30, s9, $0xb8;
	[tilespmem:$0x19C00] =	vst v63  }
0xa2: {  	s31 =	rddreg [dreg:$0xc];
	s0 =	simm.s32 $0x69B0  }
0xa3: {  	[tilespmem:s31], [sflag:$0x1] =	stream.indirect.gather [hbm4b:s3+s9], $0x20, s0, s9, $0xb8;
	[tilespmem:$0x19C00] =	vst v63  }
0xa4: {  	s1 =	rddreg [dreg:$0xd];
	s11 =	simm.s32 $0x69E8  }
0xa5: {  	[tilespmem:s1], [sflag:$0x1] =	stream.indirect.gather [hbm4b:s3+s9], $0x20, s11, s9, $0xb8;
	[tilespmem:$0x19C00] =	vst v63  }
0xa6: {  	s12 =	rddreg [dreg:$0xe];
	s13 =	simm.s32 $0x6A20  }
0xa7: {  	[tilespmem:s12], [sflag:$0x1] =	stream.indirect.gather [hbm4b:s3+s9], $0x20, s13, s9, $0xb8;
	[tilespmem:$0x19C00] =	vst v63  }
0xa8: {  	s26 =	simm.s32 $0x6A58;
	s14 =	rddreg [dreg:$0xf]  }
0xa9: {  	[tilespmem:s14], [sflag:$0x1] =	stream.indirect.gather [hbm4b:s3+s9], $0x20, s26, s9, $0xb8;
	[tilespmem:$0x19C00] =	vst v63  }
0xaa: {  	s28 =	rddreg [dreg:$0x10];
	s29 =	simm.s32 $0x6A90  }
0xab: {  	[tilespmem:s28], [sflag:$0x1] =	stream.indirect.gather [hbm4b:s3+s9], $0x20, s29, s9, $0xb8;
	[tilespmem:$0x19C00] =	vst v63  }
0xac: {  	s30 =	rddreg [dreg:$0x11];
	s31 =	simm.s32 $0x6AC8  }
0xad: {  	[tilespmem:s30], [sflag:$0x1] =	stream.indirect.gather [hbm4b:s3+s9], $0x20, s31, s9, $0xb8;
	[tilespmem:$0x19C00] =	vst v63  }
0xae: {  	_ = 	snop  }
0xaf: {  	[hbm4b:s6+s2] =	stream.linear.scatter [tilespmem:s10], [sflag:$0x2], $0x6400, $0x38;
	[tilespmem:$0x19C00] =	vst v63  }
0xb0: {  	_ =	swait.ge [sflag:s19], $0x640  }
0xb1: {  	[sflag:s19] =	ssyncset.done $0x0  }
0xb2: {  	[sflag:s19] =	ssyncadd.s32 $0xFFFFF9C0  }
0xb3: {  	_ =	swait.ge [sflag:s19], $0x640  }
0xb4: {  	[sflag:s19] =	ssyncset.done $0x0  }
0xb5: {  	[sflag:s19] =	ssyncadd.s32 $0xFFFFF9C0  }
0xb6: {  	_ =	swait.ge [sflag:s19], $0x640  }
0xb7: {  	[sflag:s19] =	ssyncset.done $0x0  }
0xb8: {  	[sflag:s19] =	ssyncadd.s32 $0xFFFFF9C0  }
0xb9: {  	_ =	swait.ge [sflag:s19], $0x640  }
0xba: {  	[sflag:s19] =	ssyncset.done $0x0  }
0xbb: {  	[sflag:s19] =	ssyncadd.s32 $0xFFFFF9C0  }
0xbc: {  	_ =	swait.ge [sflag:s19], $0x640  }
0xbd: {  	[sflag:s19] =	ssyncset.done $0x0  }
0xbe: {  	[sflag:s19] =	ssyncadd.s32 $0xFFFFF9C0  }
0xbf: {  	_ =	swait.ge [sflag:s19], $0x640  }
0xc0: {  	[sflag:s19] =	ssyncset.done $0x0  }
0xc1: {  	[sflag:s19] =	ssyncadd.s32 $0xFFFFF9C0  }
0xc2: {  	_ =	swait.ge [sflag:s19], $0x640  }
0xc3: {  	[sflag:s19] =	ssyncset.done $0x0  }
0xc4: {  	[sflag:s19] =	ssyncadd.s32 $0xFFFFF9C0  }
0xc5: {  	_ =	swait.ge [sflag:s19], $0x640  }
0xc6: {  	[sflag:s19] =	ssyncset.done $0x0  }
0xc7: {  	[sflag:s19] =	ssyncadd.s32 $0xFFFFF9C0  }
0xc8: {  	_ =	swait.ge [sflag:s19], $0x640  }
0xc9: {  	[sflag:s19] =	ssyncset.done $0x0  }
0xca: {  	[sflag:s19] =	ssyncadd.s32 $0xFFFFF9C0  }
0xcb: {  	_ =	swait.ge [sflag:s19], $0x640  }
0xcc: {  	[sflag:s19] =	ssyncset.done $0x0  }
0xcd: {  	[sflag:s19] =	ssyncadd.s32 $0xFFFFF9C0  }
0xce: {  	_ =	swait.ge [sflag:s19], $0x640  }
0xcf: {  	[sflag:s19] =	ssyncset.done $0x0  }
0xd0: {  	[sflag:s19] =	ssyncadd.s32 $0xFFFFF9C0  }
0xd1: {  	_ =	swait.ge [sflag:s19], $0x640  }
0xd2: {  	[sflag:s19] =	ssyncset.done $0x0  }
0xd3: {  	[sflag:s19] =	ssyncadd.s32 $0xFFFFF9C0  }
0xd4: {  	_ =	swait.ge [sflag:s19], $0x640  }
0xd5: {  	[sflag:s19] =	ssyncset.done $0x0  }
0xd6: {  	[sflag:s19] =	ssyncadd.s32 $0xFFFFF9C0  }
0xd7: {  	_ =	swait.ge [sflag:s19], $0x640  }
0xd8: {  	[sflag:s19] =	ssyncset.done $0x0  }
0xd9: {  	[sflag:s19] =	ssyncadd.s32 $0xFFFFF9C0  }
0xda: {  	_ =	swait.ge [sflag:s19], $0x640  }
0xdb: {  	[sflag:s19] =	ssyncset.done $0x0  }
0xdc: {  	[sflag:s19] =	ssyncadd.s32 $0xFFFFF9C0  }
0xdd: {  	_ =	swait.ge [sflag:s19], $0x640  }
0xde: {  	[sflag:s19] =	ssyncset.done $0x0  }
0xdf: {  	[sflag:s19] =	ssyncadd.s32 $0xFFFFF9C0  }
0xe0: {  	p0 =	por $0x0, $0x0;
	_ =	swait.ge [sflag:s21], $0x6400  }
0xe1: {  	s24 =	simm.s32 @!p0 $0xD400;
	[sflag:s21] =	ssyncset.done $0x0  }
0xe2: {  	s25 =	simm.s32 @!p0 $0x6B00;
	s26 =	simm.s32 @!p0 $0x32;
	[sflag:s21] =	ssyncadd.s32 $0xFFFF9C00  }
0xe3: {  	[tilespmem:s24], [sflag:$0x1] =	stream.indirect.gather @!p0 [hbm4b:s3+s26], $0x20, s25, s26, $0xb8;
	[tilespmem:$0x19C00] =	vst v63  }
0xe4: {  	s24 =	simm.s32 @!p0 $0x6B38;
	s25 =	simm.s32 @!p0 $0xDA40  }
0xe5: {  	[tilespmem:s25], [sflag:$0x1] =	stream.indirect.gather @!p0 [hbm4b:s3+s26], $0x20, s24, s26, $0xb8;
	[tilespmem:$0x19C00] =	vst v63  }
0xe6: {  	s24 =	simm.s32 @!p0 $0x6B70;
	s25 =	simm.s32 @!p0 $0xE080  }
0xe7: {  	[tilespmem:s25], [sflag:$0x1] =	stream.indirect.gather @!p0 [hbm4b:s3+s26], $0x20, s24, s26, $0xb8;
	[tilespmem:$0x19C00] =	vst v63  }
0xe8: {  	s24 =	simm.s32 @!p0 $0x6BA8;
	s25 =	simm.s32 @!p0 $0xE6C0  }
0xe9: {  	[tilespmem:s25], [sflag:$0x1] =	stream.indirect.gather @!p0 [hbm4b:s3+s26], $0x20, s24, s26, $0xb8;
	[tilespmem:$0x19C00] =	vst v63  }
0xea: {  	s24 =	simm.s32 @!p0 $0x6BE0;
	s25 =	simm.s32 @!p0 $0xED00  }
0xeb: {  	[tilespmem:s25], [sflag:$0x1] =	stream.indirect.gather @!p0 [hbm4b:s3+s26], $0x20, s24, s26, $0xb8;
	[tilespmem:$0x19C00] =	vst v63  }
0xec: {  	s24 =	simm.s32 @!p0 $0x6C18;
	s25 =	simm.s32 @!p0 $0xF340  }
0xed: {  	[tilespmem:s25], [sflag:$0x1] =	stream.indirect.gather @!p0 [hbm4b:s3+s26], $0x20, s24, s26, $0xb8;
	[tilespmem:$0x19C00] =	vst v63  }
0xee: {  	s24 =	simm.s32 @!p0 $0x6C50;
	s25 =	simm.s32 @!p0 $0xF980  }
0xef: {  	[tilespmem:s25], [sflag:$0x1] =	stream.indirect.gather @!p0 [hbm4b:s3+s26], $0x20, s24, s26, $0xb8;
	[tilespmem:$0x19C00] =	vst v63  }
0xf0: {  	s24 =	simm.s32 @!p0 $0x6C88;
	s25 =	simm.s32 @!p0 $0xFFC0  }
0xf1: {  	[tilespmem:s25], [sflag:$0x1] =	stream.indirect.gather @!p0 [hbm4b:s3+s26], $0x20, s24, s26, $0xb8;
	[tilespmem:$0x19C00] =	vst v63  }
0xf2: {  	s24 =	simm.s32 @!p0 $0x6CC0;
	s25 =	simm.s32 @!p0 $0x10600  }
0xf3: {  	[tilespmem:s25], [sflag:$0x1] =	stream.indirect.gather @!p0 [hbm4b:s3+s26], $0x20, s24, s26, $0xb8;
	[tilespmem:$0x19C00] =	vst v63  }
0xf4: {  	s24 =	simm.s32 @!p0 $0x6CF8;
	s25 =	simm.s32 @!p0 $0x10C40  }
0xf5: {  	[tilespmem:s25], [sflag:$0x1] =	stream.indirect.gather @!p0 [hbm4b:s3+s26], $0x20, s24, s26, $0xb8;
	[tilespmem:$0x19C00] =	vst v63  }
0xf6: {  	s24 =	simm.s32 @!p0 $0x6D30;
	s25 =	simm.s32 @!p0 $0x11280  }
0xf7: {  	[tilespmem:s25], [sflag:$0x1] =	stream.indirect.gather @!p0 [hbm4b:s3+s26], $0x20, s24, s26, $0xb8;
	[tilespmem:$0x19C00] =	vst v63  }
0xf8: {  	s24 =	simm.s32 @!p0 $0x6D68;
	s25 =	simm.s32 @!p0 $0x118C0  }
0xf9: {  	[tilespmem:s25], [sflag:$0x1] =	stream.indirect.gather @!p0 [hbm4b:s3+s26], $0x20, s24, s26, $0xb8;
	[tilespmem:$0x19C00] =	vst v63  }
0xfa: {  	s24 =	simm.s32 @!p0 $0x6DA0;
	s25 =	simm.s32 @!p0 $0x11F00  }
0xfb: {  	[tilespmem:s25], [sflag:$0x1] =	stream.indirect.gather @!p0 [hbm4b:s3+s26], $0x20, s24, s26, $0xb8;
	[tilespmem:$0x19C00] =	vst v63  }
0xfc: {  	s24 =	simm.s32 @!p0 $0x6DD8;
	s25 =	simm.s32 @!p0 $0x12540  }
0xfd: {  	[tilespmem:s25], [sflag:$0x1] =	stream.indirect.gather @!p0 [hbm4b:s3+s26], $0x20, s24, s26, $0xb8;
	[tilespmem:$0x19C00] =	vst v63  }
0xfe: {  	s24 =	simm.s32 @!p0 $0x6E10;
	s25 =	simm.s32 @!p0 $0x12B80  }
0xff: {  	[tilespmem:s25], [sflag:$0x1] =	stream.indirect.gather @!p0 [hbm4b:s3+s26], $0x20, s24, s26, $0xb8;
	[tilespmem:$0x19C00] =	vst v63  }
0x100: {  	s24 =	simm.s32 @!p0 $0x6E48;
	s25 =	simm.s32 @!p0 $0x131C0  }
0x101: {  	[tilespmem:s25], [sflag:$0x1] =	stream.indirect.gather @!p0 [hbm4b:s3+s26], $0x20, s24, s26, $0xb8;
	[tilespmem:$0x19C00] =	vst v63  }
0x102: {  	s24 =	simm.s32 $0x1C00;
	s26 =	sadd.s32 $0xC80, s6;
	s25 =	sadd.s32 $0x1900, s6  }
.LBB2_4:
0x103: {  	[hbm4b:s26+s2] =	stream.linear.scatter [tilespmem:s20], [sflag:$0x3], $0x6400, $0x38;
	[tilespmem:$0x19C00] =	vst v63  }
0x104: {  	_ =	swait.ge [sflag:s19], $0x640  }
0x105: {  	[sflag:s19] =	ssyncset.done $0x0  }
0x106: {  	[sflag:s19] =	ssyncadd.s32 $0xFFFFF9C0  }
0x107: {  	_ =	swait.ge [sflag:s19], $0x640  }
0x108: {  	[sflag:s19] =	ssyncset.done $0x0  }
0x109: {  	[sflag:s19] =	ssyncadd.s32 $0xFFFFF9C0  }
0x10a: {  	_ =	swait.ge [sflag:s19], $0x640  }
0x10b: {  	[sflag:s19] =	ssyncset.done $0x0  }
0x10c: {  	[sflag:s19] =	ssyncadd.s32 $0xFFFFF9C0  }
0x10d: {  	_ =	swait.ge [sflag:s19], $0x640  }
0x10e: {  	[sflag:s19] =	ssyncset.done $0x0  }
0x10f: {  	[sflag:s19] =	ssyncadd.s32 $0xFFFFF9C0  }
0x110: {  	_ =	swait.ge [sflag:s19], $0x640  }
0x111: {  	[sflag:s19] =	ssyncset.done $0x0  }
0x112: {  	[sflag:s19] =	ssyncadd.s32 $0xFFFFF9C0  }
0x113: {  	_ =	swait.ge [sflag:s19], $0x640  }
0x114: {  	[sflag:s19] =	ssyncset.done $0x0  }
0x115: {  	[sflag:s19] =	ssyncadd.s32 $0xFFFFF9C0  }
0x116: {  	_ =	swait.ge [sflag:s19], $0x640  }
0x117: {  	[sflag:s19] =	ssyncset.done $0x0  }
0x118: {  	[sflag:s19] =	ssyncadd.s32 $0xFFFFF9C0  }
0x119: {  	_ =	swait.ge [sflag:s19], $0x640  }
0x11a: {  	[sflag:s19] =	ssyncset.done $0x0  }
0x11b: {  	[sflag:s19] =	ssyncadd.s32 $0xFFFFF9C0  }
0x11c: {  	_ =	swait.ge [sflag:s19], $0x640  }
0x11d: {  	[sflag:s19] =	ssyncset.done $0x0  }
0x11e: {  	[sflag:s19] =	ssyncadd.s32 $0xFFFFF9C0  }
0x11f: {  	_ =	swait.ge [sflag:s19], $0x640  }
0x120: {  	[sflag:s19] =	ssyncset.done $0x0  }
0x121: {  	[sflag:s19] =	ssyncadd.s32 $0xFFFFF9C0  }
0x122: {  	_ =	swait.ge [sflag:s19], $0x640  }
0x123: {  	[sflag:s19] =	ssyncset.done $0x0  }
0x124: {  	[sflag:s19] =	ssyncadd.s32 $0xFFFFF9C0  }
0x125: {  	_ =	swait.ge [sflag:s19], $0x640  }
0x126: {  	[sflag:s19] =	ssyncset.done $0x0  }
0x127: {  	[sflag:s19] =	ssyncadd.s32 $0xFFFFF9C0  }
0x128: {  	_ =	swait.ge [sflag:s19], $0x640  }
0x129: {  	[sflag:s19] =	ssyncset.done $0x0  }
0x12a: {  	[sflag:s19] =	ssyncadd.s32 $0xFFFFF9C0  }
0x12b: {  	_ =	swait.ge [sflag:s19], $0x640  }
0x12c: {  	[sflag:s19] =	ssyncset.done $0x0  }
0x12d: {  	[sflag:s19] =	ssyncadd.s32 $0xFFFFF9C0  }
0x12e: {  	_ =	swait.ge [sflag:s19], $0x640  }
0x12f: {  	[sflag:s19] =	ssyncset.done $0x0  }
0x130: {  	[sflag:s19] =	ssyncadd.s32 $0xFFFFF9C0  }
0x131: {  	s26 =	smov.u32 s24;
	_ =	swait.ge [sflag:s19], $0x640  }
0x132: {  	p1 =	seq.s32 s26, $0x0;
	[sflag:s19] =	ssyncset.done $0x0  }
0x133: {  	s29 =	simm.s32 @!p1 $0x3;
	[sflag:s19] =	ssyncadd.s32 $0xFFFFF9C0  }
0x134: {  	_ =	swait.ge @!p1 [sflag:s29], $0x6400  }
0x135: {  	s28 =	sshra.s32 s26, $0x2;
	[sflag:s29] =	ssyncset.done @!p1 $0x0  }
0x136: {  	s11 =	sadd.s32 $0x6780, s28;
	[sflag:s29] =	ssyncadd.s32 @!p1 $0xFFFF9C00  }
0x137: {  	[tilespmem:s20], [sflag:$0x1] =	stream.indirect.gather [hbm4b:s3+s9], $0x20, s11, s9, $0xb8;
	[tilespmem:$0x19C00] =	vst v63  }
0x138: {  	s12 =	sadd.s32 $0x67B8, s28;
	s30 =	rddreg [dreg:$0x3]  }
0x139: {  	[tilespmem:s30], [sflag:$0x1] =	stream.indirect.gather [hbm4b:s3+s9], $0x20, s12, s9, $0xb8;
	[tilespmem:$0x19C00] =	vst v63  }
0x13a: {  	s13 =	sadd.s32 $0x67F0, s28;
	s31 =	rddreg [dreg:$0x4]  }
0x13b: {  	[tilespmem:s31], [sflag:$0x1] =	stream.indirect.gather [hbm4b:s3+s9], $0x20, s13, s9, $0xb8;
	[tilespmem:$0x19C00] =	vst v63  }
0x13c: {  	s0 =	sadd.s32 $0x6828, s28;
	s14 =	rddreg [dreg:$0x5]  }
0x13d: {  	[tilespmem:s14], [sflag:$0x1] =	stream.indirect.gather [hbm4b:s3+s9], $0x20, s0, s9, $0xb8;
	[tilespmem:$0x19C00] =	vst v63  }
0x13e: {  	s1 =	rddreg [dreg:$0x6];
	s11 =	sadd.s32 $0x6860, s28  }
0x13f: {  	[tilespmem:s1], [sflag:$0x1] =	stream.indirect.gather [hbm4b:s3+s9], $0x20, s11, s9, $0xb8;
	[tilespmem:$0x19C00] =	vst v63  }
0x140: {  	s12 =	rddreg [dreg:$0x7];
	s13 =	sadd.s32 $0x6898, s28  }
0x141: {  	[tilespmem:s12], [sflag:$0x1] =	stream.indirect.gather [hbm4b:s3+s9], $0x20, s13, s9, $0xb8;
	[tilespmem:$0x19C00] =	vst v63  }
0x142: {  	s14 =	rddreg [dreg:$0x8];
	s0 =	sadd.s32 $0x68D0, s28  }
0x143: {  	[tilespmem:s14], [sflag:$0x1] =	stream.indirect.gather [hbm4b:s3+s9], $0x20, s0, s9, $0xb8;
	[tilespmem:$0x19C00] =	vst v63  }
0x144: {  	s1 =	rddreg [dreg:$0x9];
	s11 =	sadd.s32 $0x6908, s28  }
0x145: {  	[tilespmem:s1], [sflag:$0x1] =	stream.indirect.gather [hbm4b:s3+s9], $0x20, s11, s9, $0xb8;
	[tilespmem:$0x19C00] =	vst v63  }
0x146: {  	s12 =	rddreg [dreg:$0xa];
	s13 =	sadd.s32 $0x6940, s28  }
0x147: {  	[tilespmem:s12], [sflag:$0x1] =	stream.indirect.gather [hbm4b:s3+s9], $0x20, s13, s9, $0xb8;
	[tilespmem:$0x19C00] =	vst v63  }
0x148: {  	s14 =	rddreg [dreg:$0xb];
	s0 =	sadd.s32 $0x6978, s28  }
0x149: {  	[tilespmem:s14], [sflag:$0x1] =	stream.indirect.gather [hbm4b:s3+s9], $0x20, s0, s9, $0xb8;
	[tilespmem:$0x19C00] =	vst v63  }
0x14a: {  	s1 =	rddreg [dreg:$0xc];
	s11 =	sadd.s32 $0x69B0, s28  }
0x14b: {  	[tilespmem:s1], [sflag:$0x1] =	stream.indirect.gather [hbm4b:s3+s9], $0x20, s11, s9, $0xb8;
	[tilespmem:$0x19C00] =	vst v63  }
0x14c: {  	s12 =	rddreg [dreg:$0xd];
	s13 =	sadd.s32 $0x69E8, s28  }
0x14d: {  	[tilespmem:s12], [sflag:$0x1] =	stream.indirect.gather [hbm4b:s3+s9], $0x20, s13, s9, $0xb8;
	[tilespmem:$0x19C00] =	vst v63  }
0x14e: {  	s14 =	rddreg [dreg:$0xe];
	s0 =	sadd.s32 $0x6A20, s28  }
0x14f: {  	[tilespmem:s14], [sflag:$0x1] =	stream.indirect.gather [hbm4b:s3+s9], $0x20, s0, s9, $0xb8;
	[tilespmem:$0x19C00] =	vst v63  }
0x150: {  	s1 =	rddreg [dreg:$0xf];
	s11 =	sadd.s32 $0x6A58, s28  }
0x151: {  	[tilespmem:s1], [sflag:$0x1] =	stream.indirect.gather [hbm4b:s3+s9], $0x20, s11, s9, $0xb8;
	[tilespmem:$0x19C00] =	vst v63  }
0x152: {  	s12 =	rddreg [dreg:$0x10];
	s13 =	sadd.s32 $0x6A90, s28  }
0x153: {  	[tilespmem:s12], [sflag:$0x1] =	stream.indirect.gather [hbm4b:s3+s9], $0x20, s13, s9, $0xb8;
	[tilespmem:$0x19C00] =	vst v63  }
0x154: {  	s28 =	sadd.s32 $0x6AC8, s28;
	s14 =	rddreg [dreg:$0x11]  }
0x155: {  	[tilespmem:s14], [sflag:$0x1] =	stream.indirect.gather [hbm4b:s3+s9], $0x20, s28, s9, $0xb8;
	[tilespmem:$0x19C00] =	vst v63  }
0x156: {  	_ = 	snop  }
0x157: {  	[hbm4b:s25+s2] =	stream.linear.scatter [tilespmem:s10], [sflag:$0x2], $0x6400, $0x38;
	[tilespmem:$0x19C00] =	vst v63  }
0x158: {  	_ =	swait.ge [sflag:s19], $0x640  }
0x159: {  	[sflag:s19] =	ssyncset.done $0x0  }
0x15a: {  	[sflag:s19] =	ssyncadd.s32 $0xFFFFF9C0  }
0x15b: {  	_ =	swait.ge [sflag:s19], $0x640  }
0x15c: {  	[sflag:s19] =	ssyncset.done $0x0  }
0x15d: {  	[sflag:s19] =	ssyncadd.s32 $0xFFFFF9C0  }
0x15e: {  	_ =	swait.ge [sflag:s19], $0x640  }
0x15f: {  	[sflag:s19] =	ssyncset.done $0x0  }
0x160: {  	[sflag:s19] =	ssyncadd.s32 $0xFFFFF9C0  }
0x161: {  	_ =	swait.ge [sflag:s19], $0x640  }
0x162: {  	[sflag:s19] =	ssyncset.done $0x0  }
0x163: {  	[sflag:s19] =	ssyncadd.s32 $0xFFFFF9C0  }
0x164: {  	_ =	swait.ge [sflag:s19], $0x640  }
0x165: {  	[sflag:s19] =	ssyncset.done $0x0  }
0x166: {  	[sflag:s19] =	ssyncadd.s32 $0xFFFFF9C0  }
0x167: {  	_ =	swait.ge [sflag:s19], $0x640  }
0x168: {  	[sflag:s19] =	ssyncset.done $0x0  }
0x169: {  	[sflag:s19] =	ssyncadd.s32 $0xFFFFF9C0  }
0x16a: {  	_ =	swait.ge [sflag:s19], $0x640  }
0x16b: {  	[sflag:s19] =	ssyncset.done $0x0  }
0x16c: {  	[sflag:s19] =	ssyncadd.s32 $0xFFFFF9C0  }
0x16d: {  	_ =	swait.ge [sflag:s19], $0x640  }
0x16e: {  	[sflag:s19] =	ssyncset.done $0x0  }
0x16f: {  	[sflag:s19] =	ssyncadd.s32 $0xFFFFF9C0  }
0x170: {  	_ =	swait.ge [sflag:s19], $0x640  }
0x171: {  	[sflag:s19] =	ssyncset.done $0x0  }
0x172: {  	[sflag:s19] =	ssyncadd.s32 $0xFFFFF9C0  }
0x173: {  	_ =	swait.ge [sflag:s19], $0x640  }
0x174: {  	[sflag:s19] =	ssyncset.done $0x0  }
0x175: {  	[sflag:s19] =	ssyncadd.s32 $0xFFFFF9C0  }
0x176: {  	_ =	swait.ge [sflag:s19], $0x640  }
0x177: {  	[sflag:s19] =	ssyncset.done $0x0  }
0x178: {  	[sflag:s19] =	ssyncadd.s32 $0xFFFFF9C0  }
0x179: {  	_ =	swait.ge [sflag:s19], $0x640  }
0x17a: {  	[sflag:s19] =	ssyncset.done $0x0  }
0x17b: {  	[sflag:s19] =	ssyncadd.s32 $0xFFFFF9C0  }
0x17c: {  	_ =	swait.ge [sflag:s19], $0x640  }
0x17d: {  	[sflag:s19] =	ssyncset.done $0x0  }
0x17e: {  	[sflag:s19] =	ssyncadd.s32 $0xFFFFF9C0  }
0x17f: {  	_ =	swait.ge [sflag:s19], $0x640  }
0x180: {  	[sflag:s19] =	ssyncset.done $0x0  }
0x181: {  	[sflag:s19] =	ssyncadd.s32 $0xFFFFF9C0  }
0x182: {  	_ =	swait.ge [sflag:s19], $0x640  }
0x183: {  	[sflag:s19] =	ssyncset.done $0x0  }
0x184: {  	[sflag:s19] =	ssyncadd.s32 $0xFFFFF9C0  }
0x185: {  	_ =	swait.ge [sflag:s19], $0x640  }
0x186: {  	[sflag:s19] =	ssyncset.done $0x0  }
0x187: {  	[sflag:s19] =	ssyncadd.s32 $0xFFFFF9C0  }
0x188: {  	p1 =	seq.s32 s26, $0x1A400;
	_ =	swait.ge [sflag:s21], $0x6400  }
0x189: {  	s29 =	simm.s32 @!p1 $0xD400;
	s28 =	sshra.s32 @!p1 s26, $0x2;
	[sflag:s21] =	ssyncset.done $0x0  }
0x18a: {  	s26 =	simm.s32 @!p1 $0x32;
	s30 =	sadd.s32 @!p1 $0x6B00, s28;
	[sflag:s21] =	ssyncadd.s32 $0xFFFF9C00  }
0x18b: {  	[tilespmem:s29], [sflag:$0x1] =	stream.indirect.gather @!p1 [hbm4b:s3+s26], $0x20, s30, s26, $0xb8;
	[tilespmem:$0x19C00] =	vst v63  }
0x18c: {  	s29 =	sadd.s32 @!p1 $0x6B38, s28;
	s30 =	simm.s32 @!p1 $0xDA40  }
0x18d: {  	[tilespmem:s30], [sflag:$0x1] =	stream.indirect.gather @!p1 [hbm4b:s3+s26], $0x20, s29, s26, $0xb8;
	[tilespmem:$0x19C00] =	vst v63  }
0x18e: {  	s31 =	sadd.s32 @!p1 $0x6B70, s28;
	s29 =	simm.s32 @!p1 $0xE080  }
0x18f: {  	[tilespmem:s29], [sflag:$0x1] =	stream.indirect.gather @!p1 [hbm4b:s3+s26], $0x20, s31, s26, $0xb8;
	[tilespmem:$0x19C00] =	vst v63  }
0x190: {  	s30 =	sadd.s32 @!p1 $0x6BA8, s28;
	s29 =	simm.s32 @!p1 $0xE6C0  }
0x191: {  	[tilespmem:s29], [sflag:$0x1] =	stream.indirect.gather @!p1 [hbm4b:s3+s26], $0x20, s30, s26, $0xb8;
	[tilespmem:$0x19C00] =	vst v63  }
0x192: {  	s1 =	sadd.s32 @!p1 $0x6BE0, s28;
	s29 =	simm.s32 @!p1 $0xED00  }
0x193: {  	[tilespmem:s29], [sflag:$0x1] =	stream.indirect.gather @!p1 [hbm4b:s3+s26], $0x20, s1, s26, $0xb8;
	[tilespmem:$0x19C00] =	vst v63  }
0x194: {  	s31 =	sadd.s32 @!p1 $0x6C18, s28;
	s1 =	simm.s32 @!p1 $0xF340  }
0x195: {  	[tilespmem:s1], [sflag:$0x1] =	stream.indirect.gather @!p1 [hbm4b:s3+s26], $0x20, s31, s26, $0xb8;
	[tilespmem:$0x19C00] =	vst v63  }
0x196: {  	s0 =	sadd.s32 @!p1 $0x6C50, s28;
	s1 =	simm.s32 @!p1 $0xF980  }
0x197: {  	[tilespmem:s1], [sflag:$0x1] =	stream.indirect.gather @!p1 [hbm4b:s3+s26], $0x20, s0, s26, $0xb8;
	[tilespmem:$0x19C00] =	vst v63  }
0x198: {  	s30 =	sadd.s32 @!p1 $0x6C88, s28;
	s0 =	simm.s32 @!p1 $0xFFC0  }
0x199: {  	[tilespmem:s0], [sflag:$0x1] =	stream.indirect.gather @!p1 [hbm4b:s3+s26], $0x20, s30, s26, $0xb8;
	[tilespmem:$0x19C00] =	vst v63  }
0x19a: {  	s11 =	sadd.s32 @!p1 $0x6CC0, s28;
	s0 =	simm.s32 @!p1 $0x10600  }
0x19b: {  	[tilespmem:s0], [sflag:$0x1] =	stream.indirect.gather @!p1 [hbm4b:s3+s26], $0x20, s11, s26, $0xb8;
	[tilespmem:$0x19C00] =	vst v63  }
0x19c: {  	s29 =	sadd.s32 @!p1 $0x6CF8, s28;
	s0 =	simm.s32 @!p1 $0x10C40  }
0x19d: {  	[tilespmem:s0], [sflag:$0x1] =	stream.indirect.gather @!p1 [hbm4b:s3+s26], $0x20, s29, s26, $0xb8;
	[tilespmem:$0x19C00] =	vst v63  }
0x19e: {  	s12 =	sadd.s32 @!p1 $0x6D30, s28;
	s0 =	simm.s32 @!p1 $0x11280  }
0x19f: {  	[tilespmem:s0], [sflag:$0x1] =	stream.indirect.gather @!p1 [hbm4b:s3+s26], $0x20, s12, s26, $0xb8;
	[tilespmem:$0x19C00] =	vst v63  }
0x1a0: {  	s31 =	sadd.s32 @!p1 $0x6D68, s28;
	s0 =	simm.s32 @!p1 $0x118C0  }
0x1a1: {  	[tilespmem:s0], [sflag:$0x1] =	stream.indirect.gather @!p1 [hbm4b:s3+s26], $0x20, s31, s26, $0xb8;
	[tilespmem:$0x19C00] =	vst v63  }
0x1a2: {  	s24 =	sadd.s32 $0x1C00, s24;
	s13 =	sadd.s32 @!p1 $0x6DA0, s28;
	s0 =	simm.s32 @!p1 $0x11F00  }
0x1a3: {  	[tilespmem:s0], [sflag:$0x1] =	stream.indirect.gather @!p1 [hbm4b:s3+s26], $0x20, s13, s26, $0xb8;
	[tilespmem:$0x19C00] =	vst v63  }
0x1a4: {  	p0 =	sne.s32 s24, $0x1C000;
	s1 =	sadd.s32 @!p1 $0x6DD8, s28;
	s0 =	simm.s32 @!p1 $0x12540  }
0x1a5: {  	[tilespmem:s0], [sflag:$0x1] =	stream.indirect.gather @!p1 [hbm4b:s3+s26], $0x20, s1, s26, $0xb8;
	[tilespmem:$0x19C00] =	vst v63  }
.Ltmp1:
0x1a6: {  	s14 =	sadd.s32 @!p1 $0x6E10, s28;
	s0 =	simm.s32 @!p1 $0x12B80;
	(pc) =	sbr.rel @p0 .LBB2_4-.Ltmp1, $4  }
0x1a7: {  	[tilespmem:s0], [sflag:$0x1] =	stream.indirect.gather @!p1 [hbm4b:s3+s26], $0x20, s14, s26, $0xb8;
	[tilespmem:$0x19C00] =	vst v63  }
0x1a8: {  	s28 =	sadd.s32 @!p1 $0x6E48, s28;
	s0 =	simm.s32 @!p1 $0x131C0  }
0x1a9: {  	[tilespmem:s0], [sflag:$0x1] =	stream.indirect.gather @!p1 [hbm4b:s3+s26], $0x20, s28, s26, $0xb8;
	[tilespmem:$0x19C00] =	vst v63  }
0x1aa: {  	s26 =	sadd.s32 $0xC80, s25;
	s25 =	sadd.s32 $0x1900, s25  }
0x1ab: {  	s23 =	sadd.s32 $0x1, s23  }
0x1ac: {  	p0 =	sne.s32 s23, s5  }
.Ltmp2:
0x1ad: {  	_ = 	snop;
	(pc) =	sbr.rel @p0 .LBB2_1-.Ltmp2, $4  }
0x1ae: {  	[hbm4b:s26+s2] =	stream.linear.scatter [tilespmem:s20], [sflag:$0x3], $0x6400, $0x38;
	[tilespmem:$0x19C00] =	vst v63  }
0x1af: {  	_ =	swait.ge [sflag:s22], $0x6400  }
0x1b0: {  	[sflag:s22] =	ssyncset.done $0x0  }
0x1b1: {  	[sflag:s22] =	ssyncadd.s32 $0xFFFF9C00  }
0x1b2: {  	_ =	sfence.sel $0x180000  }
0x1b3: {  	[bflag:$0x0] =	sbarrier.arrive $0xFFFF  }
0x1b4: {  	_ =	strace $0x90000047  }
0x1b5: {  	s0 =	stileid.u32;
	[bflag:$0x2] =	sbarrier.arrive $0xFFFF  }
0x1b6: {  	p0 =	sne.s32 s0, $0x0;
	s0 =	rddreg [dreg:$0x2]  }
0x1b7: {  	s0 =	sadd.s32 @!p0 $0x100000, s0  }
0x1b8: {  	[sflag:s0] =	ssyncadd.tile.s32 @!p0 $0x1;
	_ =	shalt  }
.Lfunc_end2:
_tile_overlayer_lowered:
.L_overlay_start_2:
0x1b9: {  	(tag) =	ssettag $0x2  }
0x1ba: {  	s0 =	rddreg [dreg:$0x0];
	s2 =	stileid.u32  }
0x1bb: {  	s1 =	rddreg [dreg:$0x1];
	p0 =	sne.s32 s2, $0x0  }
0x1bc: {  	s3 =	rddreg [dreg:$0x2];
	[bflag:$0x3] =	sbarrier.arrive $0xFFFF;
	s2 =	simm.s32 @!p0 $0x1C04  }
0x1bd: {  	[timem:s3], [sflag:s2] =	dma.local @!p0 [hbm:s0], s1  }
0x1be: {  	s0 =	simm.s32 @!p0 $0x4  }
0x1bf: {  	_ =	swait.ge @!p0 [sflag:s0], s1  }
0x1c0: {  	s1 =	ssub.s32 @!p0 $0x0, s1;
	[sflag:s0] =	ssyncset.done @!p0 $0x0  }
0x1c1: {  	[sflag:s0] =	ssyncadd.s32 @!p0 s1  }
0x1c2: {  	[bflag:$0x3] =	sbarrier.arrive $0xFFFF  }
0x1c3: {  	_ =	shalt  }

// kernel: sparse-core-data-format-call.cloned.1.call-start
scs
called_computation_lowered:
.L_overlay_start_0:
0x0: {  	s2 =	sld [smem:$0x3FD9]  }
0x1: {  	s3 =	sld [smem:$0x3FFE];
	_ =	sdelay $0x1  }
0x2: {  	s1 =	srdreg.scid  }
0x3: {  	s0 =	sand.u32 $0x1, s1  }
0x4: {  	s18 =	sshll.u32 s0, $0xA;
	s2 =	sadd.s32 s3, s2  }
0x5: {  	s2 =	sadd.s32 s2, s18  }
0x6: {  	[smem:$0x3FC6] =	sst s2  }
0x7: {  	_ = 	snop  }
0x8: {  	s2 =	sld [smem:$0x3FD0];
	(tm) =	ssettm $0x1  }
0x9: {  	s19 =	sld [smem:$0x3FFB];
	_ =	sdelay $0x3  }
0xa: {  	_ =	strace s19  }
0xb: {  	s3 =	sld [smem:$0x3FFC];
	_ =	sdelay $0x3  }
0xc: {  	_ =	strace s3  }
0xd: {  	s3 =	sld [smem:$0x3FFD];
	_ =	sdelay $0x3  }
0xe: {  	_ =	strace s3  }
0xf: {  	_ =	strace $0x8FFFFFFF  }
0x10: {  	s20 =	sld [smem:$0x3FDB];
	_ =	sdelay $0x1  }
0x11: {  	s4 =	simm.s32 $_scs_section_size  }
0x12: {  	s5 =	simm.s32 $_size__tile_overlayer_lowered;
	s6 =	simm.s32 $_tile_overlayer_lowered  }
0x13: {  	s23 =	simm.s32 $0x1BFF;
	s22 =	sshll.u32 s6, $0x1;
	s3 =	sadd.s32 s4, s20  }
0x14: {  	s7 =	simm.s32 $0x0;
	s21 =	sshll.u32 s5, $0x1;
	s5 =	sadd.s32 s22, s3  }
0x15: {  	[timem:s7], [sflag:s23] =	dma.local [hbm:s5], s21  }
0x16: {  	_ =	swait.ge [sflag:s23], s21  }
0x17: {  	s4 =	ssub.s32 $0x0, s21;
	[sflag:s23] =	ssyncset.done $0x0  }
0x18: {  	[sflag:s23] =	ssyncadd.s32 s4;
	_ =	sdelay $0x1  }
0x19: {  	s24 =	simm.s32 $0x1B8B  }
0x1a: {  	_ =	swait.ge [sflag:s24], $0x1  }
0x1b: {  	[sflag:s24] =	ssyncset.done $0x0  }
0x1c: {  	s26 =	simm.s32 $0x1B8E;
	s25 =	sld [smem:$0x3FFE];
	[sflag:s24] =	ssyncadd.s32 $0xFFFFFFFF  }
0x1d: {  	s27 =	simm.s32 $execute0_lowered;
	[smem:$0x3FD2] =	sst s26  }
0x1e: {  	s5 =	sshll.u32 s27, $0x1;
	_ =	strace $0x80000049;
	[dreg:$0x1] =	wrdreg $0xFFFFFFFF  }
0x1f: {  	s28 =	simm.s32 $_size_execute0_lowered;
	s3 =	sadd.s32 s3, s5;
	[dreg:$0x0] =	wrdreg $0x0  }
0x20: {  	s5 =	sshll.u32 s28, $0x1;
	[dreg:$0x2] =	wrdreg s3  }
0x21: {  	[dreg:$0x3] =	wrdreg s5  }
0x22: {  	[dreg:$0x4] =	wrdreg $0xC0  }
0x23: {  	_ =	task [dreg:s7], $0x5FFFF  }
0x24: {  	[dreg:$0x1] =	wrdreg $0xFFFFFFFF  }
0x25: {  	[dreg:$0x0] =	wrdreg $0x60  }
0x26: {  	[dreg:$0x2] =	wrdreg s25  }
0x27: {  	[dreg:$0x3] =	wrdreg s2  }
0x28: {  	[dreg:$0x4] =	wrdreg $0x9  }
0x29: {  	_ =	task.clear_ibuf [dreg:s7], $0x5FFFF;
	_ =	strace $0x90000049  }
0x2a: {  	s29 =	simm.s32 $0x9;
	_ =	strace $0x8000004B  }
0x2b: {  	_ =	swait.ge [sflag:s29], $0x1  }
0x2c: {  	[sflag:s29] =	ssyncadd.s32 $0xFFFFFFFF  }
0x2d: {  	_ =	strace $0x9000004B  }
0x2e: {  	_ =	sfence  }
0x2f: {  	s30 =	sld [smem:$0x0];
	_ =	sdelay $0x2  }
0x30: {  	s31 =	sshll.u32 s1, $0xD;
	s1 =	sshrl.u32 s1, $0x2  }
0x31: {  	s3 =	sand.u32 $0x4000, s31;
	s1 =	sadd.s32 s1, s30  }
0x32: {  	s0 =	sor.u32 s3, s0;
	s1 =	sshll.u32 s1, $0x11  }
0x33: {  	s0 =	sor.u32 s1, s0  }
0x34: {  	s0 =	sadd.s32 $0x8F2B, s0  }
0x35: {  	[sflag:s0] =	ssyncadd.remote.s32 $0x1  }
0x36: {  	_ =	sfence.sel $0xFFFF  }
0x37: {  	[dreg:$0x0] =	wrdreg $0xFFFFFFFF;
	(pc) =	sbr.abs _section_cstart, $3  }
0x38: {  	[dreg:$0x1] =	wrdreg $0xFFFFFFFF  }
0x39: {  	_ =	task.clear_ibuf [dreg:s7], $0x2FFFF;
	_ =	strace $0x9FFFFFFF  }
0x3a: {  	(tm) =	ssettm $0x7FFFFFFF  }
0x3b: {  	_ =	shalt  }
tec
execute0_lowered:
.L_overlay_start_1:
0x0: {  	(tag) =	ssettag $0x1  }
0x1: {  	s0 =	srdreg.scid  }
0x2: {  	s1 =	sshll.u32 s0, $0x4  }
0x3: {  	s0 =	stileid.u32;
	s1 =	sand.u32 $0x10, s1  }
0x4: {  	s1 =	sor.u32 s0, s1  }
0x5: {  	s6 =	rddreg [dreg:$0x0];
	s4 =	simm.s32 $0x1;
	s2 =	sshll.u32 s1, $0x7  }
0x6: {  	s7 =	simm.s32 $0x2;
	s12 =	simm.s32 $0x0;
	s1 =	ssub.s32 $0x4000, s2  }
0x7: {  	s8 =	simm.s32 $0x20000;
	s13 =	simm.s32 $0x0;
	s3 =	sand.u32 $0xF80, s1  }
0x8: {  	s9 =	simm.s32 $0x0;
	s5 =	sshrl.u32 s1, $0xC;
	p0 =	sne.s32 s3, $0x0  }
.Ltmp0:
0x9: {  	s1 =	rddreg [dreg:$0x2];
	s4 =	simm.s32 @!p0 $0x0;
	(pc) =	sbr.rel .LBB1_1-.Ltmp0, $4  }
0xa: {  	s11 =	simm.s32 $0x0;
	s3 =	rddreg [dreg:$0x1];
	s5 =	sadd.s32 s4, s5  }
0xb: {  	_ =	strace $0x8000004A;
	s4 =	simm.s32 $0x1;
	s5 =	smul.u32 $0x32, s5  }
0xc: {  	s6 =	sadd.s32 $0xA00, s6;
	s10 =	smov.u32 s2;
	[sflag:s4] =	ssyncpa.u1 $0x0  }
0xd: {  	p0 =	por $0x0, $0x0;
	[sflag:s7] =	ssyncpa.u1 $0x0;
	s7 =	sor.u32 $0x1, s5  }
.LBB1_4:
0xe: {  	s16 =	sshll.u32 s13, $0x3;
	s17 =	sand.u32 $0x78, s13  }
0xf: {  	s30 =	sand.u32 $0xF800, s13;
	s12 =	sshll.u32 s12, $0x10;
	s16 =	sand.u32 $0x3C00, s16  }
0x10: {  	s31 =	sand.u32 $0x7, s13;
	s16 =	sor.u32 s17, s16;
	s17 =	sadd.s32 s3, s30  }
0x11: {  	s13 =	sshll.u32 s31, $0x12;
	s16 =	sshrl.u32 s16, $0x3;
	s12 =	sadd.s32 s12, s17  }
0x12: {  	[tilespmem:s15+$0x0 ss:$0x81] =	vst.msk $0xffff, v0;
	s13 =	sor.u32 $0x400, s13;
	s12 =	sadd.s32 s16, s12  }
0x13: {  	[hbm4b:s12+s13] =	stream.strided.scatter [tilespmem:s14], [sflag:$0x2], $0x1000, s8, s13, $0x20;
	[tilespmem:$0x4040] =	vst v63  }
.LBB1_5:
0x14: {  	s14 =	sadd.s32 $0x1, s9  }
0x15: {  	s12 =	sadd.s32 $0x1000, s10;
	s16 =	smov.u32 s10;
	p2 =	sgt.s32 s14, $0x31  }
0x16: {  	s16 =	smov.u32 @p2 s12  }
0x17: {  	s14 =	simm.s32 @p2 $0x0;
	p2 =	sgt.s32 s16, $0x3FFF  }
0x18: {  	s16 =	smov.u32 @p2 s2;
	p2 =	sne.s32 s11, s7  }
.Ltmp1:
0x19: {  	p1 =	slt.u32 s11, $0x2;
	(pc) =	sbr.rel @!p2 .LBB1_6-.Ltmp1, $4  }
0x1a: {  	s15 =	simm.s32 @!p1 $0x2  }
0x1b: {  	s13 =	smov.u32 s10;
	p0 =	por !p0, !p0;
	_ =	swait.ge @!p1 [sflag:s15], $0x1000  }
0x1c: {  	s12 =	smov.u32 s9;
	[sflag:s15] =	ssyncset.done @!p1 $0x0;
	s9 =	smov.u32 s14  }
0x1d: {  	s11 =	sadd.s32 $0x1, s11;
	[sflag:s15] =	ssyncadd.s32 @!p1 $0xFFFFF000;
	s10 =	smov.u32 s16  }
.LBB1_1:
0x1e: {  	p1 =	sge.u32 s11, s5  }
0x1f: {  	s14 =	sand.u32 @!p1 $0x1FFFFFF, s9  }
0x20: {  	s15 =	smulhi.u32 @!p1 $0x4924925, s14;
	_ =	sdelay $0x1  }
0x21: {  	s15 =	smul.u32 @!p1 $0x38, s15  }
0x22: {  	s16 =	sxor.u32 @!p1 $0xFFFFFFFF, s11;
	s17 =	smul.u32 @!p1 $0x380, s10  }
0x23: {  	s31 =	sadd.s32 $0xFFFFFFFF, s11;
	s16 =	sshll.u32 @!p1 s16, $0xC;
	s14 =	ssub.s32 @!p1 s14, s15  }
0x24: {  	s15 =	sand.u32 @!p1 $0x1000, s16;
	s16 =	sadd.s32 @!p1 s6, s17;
	s14 =	sshll.u32 @!p1 s14, $0x4  }
0x25: {  	s17 =	simm.s32 @!p1 $0x1C00;
	s14 =	sadd.s32 @!p1 s14, s16;
	s16 =	simm.s32 @!p1 $0x20  }
0x26: {  	[tilespmem:s15], [sflag:$0x1] =	stream.strided.gather @!p1 [hbm4b:s14+s16], $0x1000, s17, s16, $0x38;
	[tilespmem:$0x4040] =	vst v63  }
0x27: {  	p1 =	sge.u32 s31, s5  }
.Ltmp2:
0x28: {  	_ = 	snop;
	(pc) =	sbr.rel @p1 .LBB1_5-.Ltmp2, $1  }
0x29: {  	_ =	sdelay $0x3  }
0x2a: {  	s14 =	simm.s32 $0x1  }
0x2b: {  	_ =	swait.ge [sflag:s4], $0x1000;
	s14 =	simm.s32 @!p0 $0x0  }
0x2c: {  	[sflag:s4] =	ssyncset.done $0x0;
	s15 =	sshll.u32 s14, $0xC  }
0x2d: {  	[sflag:s4] =	ssyncadd.s32 $0xFFFFF000;
	s18 =	sor.u32 $0x10, s15  }
0x2e: {  	s14 =	smul.u32 $0x4080, s14;
	v1 =	vld [tilespmem:s18+$0x0]  }
0x2f: {  	s30 =	sand.u32 $0x1, s11;
	v0 =	vld [tilespmem:s18+$0xFFFFFFF0]  }
0x30: {  	s15 =	smul.u32 $0x4080, s30;
	s14 =	sshrl.u32 s14, $0x2  }
0x31: {  	s16 =	sor.u32 $0x2000, s14  }
0x32: {  	s31 =	sshrl.u32 s15, $0x2;
	s15 =	sadd.s32 $0x0, s16  }
0x33: {  	s17 =	simm.s32 $0x4;
	s18 =	sadd.s32 $0x20, s18;
	s14 =	sor.u32 $0x2000, s31;
	[tilespmem:s15+$0x810 ss:$0x81] =	vst.msk $0xffff, v1  }
.LBB1_3:
0x34: {  	v1 =	vld [tilespmem:s18+$0x0];
	p1 =	sne.s32 s17, $0x1FC;
	[tilespmem:s15+$0x0 ss:$0x81] =	vst.msk $0xffff, v0;
	s15 =	smov.u32 s17;
	s17 =	sadd.s32 $0x4, s17  }
.Ltmp3:
0x35: {  	v0 =	vld [tilespmem:s18+$0xFFFFFFF0];
	(pc) =	sbr.rel @p1 .LBB1_3-.Ltmp3, $4  }
0x36: {  	_ = 	snop  }
0x37: {  	s15 =	sshra.s32 s15, $0x2  }
0x38: {  	s15 =	sadd.s32 s15, s16  }
0x39: {  	s18 =	sadd.s32 $0x20, s18;
	[tilespmem:s15+$0x810 ss:$0x81] =	vst.msk $0xffff, v1  }
.Ltmp4:
0x3a: {  	_ = 	snop;
	(pc) =	sbr.rel .LBB1_4-.Ltmp4, $1  }
0x3b: {  	_ =	sdelay $0x3  }
.LBB1_6:
0x3c: {  	_ =	sfence.sel $0x180000  }
0x3d: {  	s2 =	simm.s32 $0x1;
	[bflag:$0x0] =	sbarrier.arrive $0xFFFF  }
0x3e: {  	s31 =	simm.s32 $0x2;
	[sflag:s2] =	ssyncpa.u1 $0x1  }
0x3f: {  	[sflag:s31] =	ssyncpa.u1 $0x1  }
0x40: {  	p0 =	sne.s32 s0, $0x0;
	_ =	strace $0x9000004A  }
0x41: {  	s0 =	sadd.s32 @!p0 $0x100000, s1;
	[bflag:$0x2] =	sbarrier.arrive $0xFFFF  }
0x42: {  	[sflag:s0] =	ssyncadd.tile.s32 @!p0 $0x1;
	_ =	shalt  }
.Lfunc_end1:
_tile_overlayer_lowered:
.L_overlay_start_2:
0x43: {  	(tag) =	ssettag $0x2  }
0x44: {  	s0 =	rddreg [dreg:$0x0];
	s2 =	stileid.u32  }
0x45: {  	s1 =	rddreg [dreg:$0x1];
	p0 =	sne.s32 s2, $0x0  }
0x46: {  	s3 =	rddreg [dreg:$0x2];
	[bflag:$0x3] =	sbarrier.arrive $0xFFFF;
	s2 =	simm.s32 @!p0 $0x1C01  }
0x47: {  	[timem:s3], [sflag:s2] =	dma.local @!p0 [hbm:s0], s1  }
0x48: {  	s0 =	simm.s32 @!p0 $0x1  }
0x49: {  	_ =	swait.ge @!p0 [sflag:s0], s1  }
0x4a: {  	s1 =	ssub.s32 @!p0 $0x0, s1;
	[sflag:s0] =	ssyncset.done @!p0 $0x0  }
0x4b: {  	[sflag:s0] =	ssyncadd.s32 @!p0 s1  }
0x4c: {  	[bflag:$0x3] =	sbarrier.arrive $0xFFFF  }
0x4d: {  	_ =	shalt  }

</sc_bundles>
